<compile_context>
chip_gen: v7x
topology: tpu7x:2x2x1
jax: 0.10.2.dev20260603
libtpu: 0.0.44.dev20260713+nightly
codegen_flags: <defaults>
</compile_context>

<pallas_src>
import functools

import jax
import jax.numpy as jnp
from jax import lax
from jax.experimental import pallas as pl
from jax.experimental.pallas import tpu as pltpu
from jax.experimental.pallas import tpu_sc as plsc

E = 16
H = 768
I = 512
I_SH = 256
T = 2048
AUX_COEFF = 0.01

BT = 256
BTSHIFT = 8
NB = 24
P = NB * BT
BT3 = 512

_NC = 2
_NS = 16
_NW = _NC * _NS
_TPW = T // _NW


def _router_body(x_ref, rw_ref, dest_ref, be_ref, nbv_ref, aux_ref):
    xf = x_ref[...]
    rw = rw_ref[...]
    logits = lax.dot_general(xf, rw, (((1,), (1,)), ((), ())),
                             preferred_element_type=jnp.float32)
    lmax = jnp.max(logits, axis=1, keepdims=True)
    ex = jnp.exp(logits - lmax)
    probs = ex / jnp.sum(ex, axis=1, keepdims=True)

    ei = lax.broadcasted_iota(jnp.int32, (T, E), 1)
    is_max = logits == lmax
    eid = jnp.min(jnp.where(is_max, ei, E), axis=1, keepdims=True)
    onehot = (ei == eid).astype(jnp.int32)

    counts = jnp.sum(onehot, axis=0, keepdims=True)

    cum = onehot
    k = 1
    while k < T:
        cum = cum + jnp.concatenate(
            [jnp.zeros((k, E), jnp.int32), cum[: T - k, :]], axis=0)
        k *= 2
    rank = jnp.sum(onehot * cum, axis=1, keepdims=True) - 1

    nb_e = lax.shift_right_logical(counts + (BT - 1), BTSHIFT)
    cnb = nb_e
    k = 1
    while k < E:
        cnb = cnb + jnp.concatenate(
            [jnp.zeros((1, k), jnp.int32), cnb[:, : E - k]], axis=1)
        k *= 2
    poffset = lax.shift_left(cnb - nb_e, BTSHIFT)
    nb_total = jnp.max(cnb, axis=1, keepdims=True)

    dest = jnp.sum(onehot * poffset, axis=1, keepdims=True) + rank

    e1 = lax.broadcasted_iota(jnp.int32, (1, E), 1)
    last_e = jnp.max(jnp.where(counts > 0, e1, 0), axis=1, keepdims=True)
    g_iota = lax.broadcasted_iota(jnp.int32, (NB, E), 0)
    cnb_b = jnp.broadcast_to(cnb, (NB, E))
    raw = jnp.sum((g_iota >= cnb_b).astype(jnp.int32), axis=1, keepdims=True)
    be = jnp.minimum(raw, last_e)

    fsum = jnp.sum(counts.astype(jnp.float32) * jnp.sum(probs, axis=0,
                                                        keepdims=True),
                   axis=1, keepdims=True)
    aux = (AUX_COEFF * E / (T * T)) * fsum

    dest_ref[...] = dest
    be_ref[...] = be
    nbv_ref[...] = nb_total
    aux_ref[...] = aux


def _router_call(flat, router_w):
    return pl.pallas_call(
        _router_body,
        out_shape=(
            jax.ShapeDtypeStruct((T, 1), jnp.int32),
            jax.ShapeDtypeStruct((NB, 1), jnp.int32),
            jax.ShapeDtypeStruct((1, 1), jnp.int32),
            jax.ShapeDtypeStruct((1, 1), jnp.float32),
        ),
    )(flat, router_w)


@functools.lru_cache(maxsize=None)
def _sc_scatter_kernel():
    mesh = plsc.VectorSubcoreMesh(core_axis_name="c", subcore_axis_name="s")

    @functools.partial(
        pl.kernel,
        mesh=mesh,
        out_type=jax.ShapeDtypeStruct((P, H), jnp.float32),
        scratch_types=[
            pltpu.VMEM((_TPW,), jnp.int32),
            pltpu.VMEM((_TPW, H), jnp.float32),
            pltpu.SemaphoreType.DMA,
        ],
    )
    def _sc_scatter(x_hbm, dest_hbm, out_hbm, idx_v, rows_v, sem):
        wid = lax.axis_index("s") * _NC + lax.axis_index("c")
        base = wid * _TPW
        pltpu.sync_copy(dest_hbm.at[pl.ds(base, _TPW)], idx_v)
        pltpu.sync_copy(x_hbm.at[pl.ds(base, _TPW)], rows_v)
        pltpu.async_copy(rows_v, out_hbm.at[idx_v], sem).wait()

    return _sc_scatter


@functools.lru_cache(maxsize=None)
def _sc_gather_kernel():
    mesh = plsc.VectorSubcoreMesh(core_axis_name="c", subcore_axis_name="s")

    @functools.partial(
        pl.kernel,
        mesh=mesh,
        out_type=jax.ShapeDtypeStruct((T, H), jnp.float32),
        scratch_types=[
            pltpu.VMEM((_TPW,), jnp.int32),
            pltpu.VMEM((_TPW, H), jnp.float32),
            pltpu.SemaphoreType.DMA,
        ],
    )
    def _sc_gather(ys_hbm, dest_hbm, out_hbm, idx_v, rows_v, sem):
        wid = lax.axis_index("s") * _NC + lax.axis_index("c")
        base = wid * _TPW
        pltpu.sync_copy(dest_hbm.at[pl.ds(base, _TPW)], idx_v)
        pltpu.async_copy(ys_hbm.at[idx_v], rows_v, sem).wait()
        pltpu.sync_copy(rows_v, out_hbm.at[pl.ds(base, _TPW)])

    return _sc_gather


def _ffn_body(be_ref, nbv_ref, xs_ref, gw_ref, uw_ref, dw_ref, ys_ref):
    gb = pl.program_id(0)

    @pl.when(gb < nbv_ref[0])
    def _():
        xb = xs_ref[...]
        gw = gw_ref[0]
        uw = uw_ref[0]
        dw = dw_ref[0]
        g = lax.dot_general(xb, gw, (((1,), (1,)), ((), ())),
                            preferred_element_type=jnp.float32)
        u = lax.dot_general(xb, uw, (((1,), (1,)), ((), ())),
                            preferred_element_type=jnp.float32)
        h = g * lax.logistic(g) * u
        y = lax.dot_general(h, dw, (((1,), (1,)), ((), ())),
                            preferred_element_type=jnp.float32)
        ys_ref[...] = y


def _ffn_call(be, nbv, xs, gate_w, up_w, down_w):
    grid_spec = pltpu.PrefetchScalarGridSpec(
        num_scalar_prefetch=2,
        grid=(NB,),
        in_specs=[
            pl.BlockSpec((BT, H),
                         lambda g, be_r, nb_r: (jnp.minimum(g, nb_r[0] - 1), 0)),
            pl.BlockSpec((1, I, H), lambda g, be_r, nb_r: (be_r[g], 0, 0)),
            pl.BlockSpec((1, I, H), lambda g, be_r, nb_r: (be_r[g], 0, 0)),
            pl.BlockSpec((1, H, I), lambda g, be_r, nb_r: (be_r[g], 0, 0)),
        ],
        out_specs=pl.BlockSpec(
            (BT, H), lambda g, be_r, nb_r: (jnp.minimum(g, nb_r[0] - 1), 0)),
    )
    return pl.pallas_call(
        _ffn_body,
        grid_spec=grid_spec,
        out_shape=jax.ShapeDtypeStruct((P, H), jnp.float32),
    )(be, nbv, xs, gate_w, up_w, down_w)


def _shared_body(x_ref, gx_ref, sg_ref, su_ref, sd_ref, o_ref):
    xb = x_ref[...]
    sg = lax.dot_general(xb, sg_ref[...], (((1,), (1,)), ((), ())),
                         preferred_element_type=jnp.float32)
    su = lax.dot_general(xb, su_ref[...], (((1,), (1,)), ((), ())),
                         preferred_element_type=jnp.float32)
    h = sg * lax.logistic(sg) * su
    y = lax.dot_general(h, sd_ref[...], (((1,), (1,)), ((), ())),
                        preferred_element_type=jnp.float32)
    o_ref[...] = y + gx_ref[...]


def _shared_call(flat, gexp, sgw, suw, sdw):
    nblk = T // BT3
    return pl.pallas_call(
        _shared_body,
        grid=(nblk,),
        in_specs=[
            pl.BlockSpec((BT3, H), lambda g: (g, 0)),
            pl.BlockSpec((BT3, H), lambda g: (g, 0)),
            pl.BlockSpec((I_SH, H), lambda g: (0, 0)),
            pl.BlockSpec((I_SH, H), lambda g: (0, 0)),
            pl.BlockSpec((H, I_SH), lambda g: (0, 0)),
        ],
        out_specs=pl.BlockSpec((BT3, H), lambda g: (g, 0)),
        out_shape=jax.ShapeDtypeStruct((T, H), jnp.float32),
    )(flat, gexp, sgw, suw, sdw)


def kernel(x, router_w, gate_w, up_w, down_w,
           shared_gate_w, shared_up_w, shared_down_w):
    Bb, Tt, Hd = x.shape
    flat = x.reshape(T, H)

    dest2, be2, nbv2, aux2 = _router_call(flat, router_w)
    dest = dest2.reshape(T)
    be = be2.reshape(NB)
    nbv = nbv2.reshape(1)
    aux = aux2.reshape(())

    xs = _sc_scatter_kernel()(flat, dest)
    ys = _ffn_call(be, nbv, xs, gate_w, up_w, down_w)
    gexp = _sc_gather_kernel()(ys, dest)
    out = _shared_call(flat, gexp, shared_gate_w, shared_up_w, shared_down_w)
    return out.reshape(Bb, Tt, Hd), aux

# --- scband reference (transcript-rebuilt; emitter-appended) ---
"""Pipeline reference for scband-mo-effn-55551107006930 (READ-ONLY COPY).

The authoritative reference and input builder live on the scoring server;
editing this copy changes nothing except your own understanding.
"""

import jax, jax.numpy as jnp
import numpy as np

E = 16
TOP_K = 1
H = 768
I = 512
I_SH = 256  # intermediate_size // 2 for shared expert
AUX_COEFF = 0.01
B, T = 1, 2048


def setup_inputs(seed: int = 0) -> dict:
    key = jax.random.key(seed)
    ks = jax.random.split(key, 9)
    x = jax.random.normal(ks[0], (B, T, H), dtype=jnp.float32)
    router_w = (jax.random.normal(ks[1], (E, H), dtype=jnp.float32) * 0.02)
    gate_w = (jax.random.normal(ks[2], (E, I, H), dtype=jnp.float32) * 0.02)
    up_w = (jax.random.normal(ks[3], (E, I, H), dtype=jnp.float32) * 0.02)
    down_w = (jax.random.normal(ks[4], (E, H, I), dtype=jnp.float32) * 0.02)
    shared_gate_w = (jax.random.normal(ks[5], (I_SH, H), dtype=jnp.float32) * 0.02)
    shared_up_w = (jax.random.normal(ks[6], (I_SH, H), dtype=jnp.float32) * 0.02)
    shared_down_w = (jax.random.normal(ks[7], (H, I_SH), dtype=jnp.float32) * 0.02)
    return {
        "x": x,
        "router_w": router_w,
        "gate_w": gate_w,
        "up_w": up_w,
        "down_w": down_w,
        "shared_gate_w": shared_gate_w,
        "shared_up_w": shared_up_w,
        "shared_down_w": shared_down_w,
    }


def reference(x, router_w, gate_w, up_w, down_w, shared_gate_w, shared_up_w, shared_down_w):
    Bb, Tt, Hd = x.shape
    flat = x.reshape(-1, Hd)
    num_tokens = flat.shape[0]
    # Router
    router_logits = flat @ router_w.T
    router_probs = jax.nn.softmax(router_logits, axis=-1)
    top_k_probs, top_k_ids = jax.lax.top_k(router_probs, TOP_K)
    top_k_probs = top_k_probs / jnp.sum(top_k_probs, axis=-1, keepdims=True)
    # combine weights per token per expert: [T, E]
    one_hot = jax.nn.one_hot(top_k_ids, E, dtype=flat.dtype)  # [T, k, E]
    combine = jnp.sum(top_k_probs[..., None] * one_hot, axis=1)  # [T, E]
    # Dense equivalent of masked expert dispatch (combine is zero for
    # non-selected experts, so the result matches the torch sparse loop)
    g = jnp.einsum('th,eih->eti', flat, gate_w)
    u = jnp.einsum('th,eih->eti', flat, up_w)
    h = jax.nn.silu(g) * u
    y = jnp.einsum('eti,ehi->eth', h, down_w)
    output = jnp.einsum('eth,te->th', y, combine)
    # Shared expert
    sg = flat @ shared_gate_w.T
    su = flat @ shared_up_w.T
    output = output + (jax.nn.silu(sg) * su) @ shared_down_w.T
    # Aux load-balancing loss (matches torch broadcast, valid for top_k=1)
    mask = (top_k_ids[None, :, :] == jnp.arange(E)[None, None, :]).astype(jnp.float32)  # [1, T, E]
    expert_fractions = mask.mean(0).mean(0)  # [E]
    expert_probs_mean = router_probs.mean(0)  # [E]
    aux_loss = AUX_COEFF * E * jnp.sum(expert_fractions * expert_probs_mean)
    return (output.reshape(Bb, Tt, Hd), aux_loss)

if __name__ == "__main__":
    import jax
    _d = setup_inputs()
    print(jax.jit(kernel)(*tuple(_d.values())))

</pallas_src>

<mosaic_0001>
#map = affine_map<(d0, d1) -> (0, 0)>
#map1 = affine_map<(d0, d1) -> (0)>
module attributes {stable_mosaic.version = 14 : i64} {
  func.func @_sc_gather(%arg0: i32, %arg1: i32, %arg2: memref<6144x768xf32, #tpu.memory_space<hbm>>, %arg3: memref<2048xi32, #tpu.memory_space<hbm>>, %arg4: memref<2048x768xf32, #tpu.memory_space<hbm>>, %arg5: memref<64xi32, #tpu.memory_space<vmem>>, %arg6: memref<64x768xf32, #tpu.memory_space<vmem>>, %arg7: memref<!tpu.dma_semaphore, #tpu.memory_space<semaphore_mem>>) attributes {dimension_semantics = [#tpu.dimension_semantics<core_parallel>, #tpu.dimension_semantics<subcore_parallel>], iteration_bounds = array<i64: 2, 16>, scalar_prefetch = 0 : i64, scratch_operands = 3 : i64, tpu.core_type = #tpu.core_type<sc_vector_subcore>, window_params = [{transform_indices = #map}, {transform_indices = #map1}, {transform_indices = #map}]} {
    %mul3A = arith.constant 2 : i32
    %mul3A_0 = arith.muli %arg1, %mul3A : i32
    %add3A = arith.addi %mul3A_0, %arg0 : i32
    %mul3A_1 = arith.constant 64 : i32
    %mul3A_2 = arith.muli %add3A, %mul3A_1 : i32
    "tpu.region"() ({
      %run_scoped3A = tpu.sem_alloc : memref<!tpu.dma_semaphore, #tpu.memory_space<semaphore_mem>>
      %dma_start3A_7 = tpu.memref_slice %arg3[%mul3A_2] : memref<2048xi32, #tpu.memory_space<hbm>> -> memref<64xi32, #tpu.memory_space<hbm>>
      %dma_start3A_8 = tpu.memref_slice %arg3[%mul3A_2] : memref<2048xi32, #tpu.memory_space<hbm>> -> memref<64xi32, #tpu.memory_space<hbm>>
      tpu.enqueue_dma source(%dma_start3A_8 : memref<64xi32, #tpu.memory_space<hbm>>) target(%arg5 : memref<64xi32, #tpu.memory_space<vmem>>) target_semaphore(%run_scoped3A : memref<!tpu.dma_semaphore, #tpu.memory_space<semaphore_mem>>)
      %dma_wait3A_9 = tpu.memref_slice %arg3[%mul3A_2] : memref<2048xi32, #tpu.memory_space<hbm>> -> memref<64xi32, #tpu.memory_space<hbm>>
      %dma_wait3A_10 = tpu.memref_slice %arg3[%mul3A_2] : memref<2048xi32, #tpu.memory_space<hbm>> -> memref<64xi32, #tpu.memory_space<hbm>>
      tpu.wait_dma2 semaphore(%run_scoped3A : memref<!tpu.dma_semaphore, #tpu.memory_space<semaphore_mem>>) src(%dma_wait3A_10 : memref<64xi32, #tpu.memory_space<hbm>>) dst(%arg5 : memref<64xi32, #tpu.memory_space<vmem>>)
      tpu.yield
    }) : () -> ()
    %dma_start3A = arith.constant 0 : i32
    %dma_start3A_3 = arith.constant 0 : i32
    %dma_start3A_4 = tpu.memref_slice %arg2[%dma_start3A, %dma_start3A_3] : memref<6144x768xf32, #tpu.memory_space<hbm>> -> memref<6144x768xf32, #tpu.memory_space<hbm>>
    tpu.enqueue_indirect_dma source(%dma_start3A_4 : memref<6144x768xf32, #tpu.memory_space<hbm>>) target(%arg6 : memref<64x768xf32, #tpu.memory_space<vmem>>) offsets(%arg5 : memref<64xi32, #tpu.memory_space<vmem>>) semaphore(%arg7 : memref<!tpu.dma_semaphore, #tpu.memory_space<semaphore_mem>>)
    %dma_wait3A = arith.constant 0 : i32
    %dma_wait3A_5 = arith.constant 0 : i32
    %dma_wait3A_6 = tpu.memref_slice %arg2[%dma_wait3A, %dma_wait3A_5] : memref<6144x768xf32, #tpu.memory_space<hbm>> -> memref<6144x768xf32, #tpu.memory_space<hbm>>
    tpu.wait_indirect_dma semaphore(%arg7 : memref<!tpu.dma_semaphore, #tpu.memory_space<semaphore_mem>>) src(%dma_wait3A_6 : memref<6144x768xf32, #tpu.memory_space<hbm>>) dst(%arg6 : memref<64x768xf32, #tpu.memory_space<vmem>>)
    "tpu.region"() ({
      %run_scoped3A = tpu.sem_alloc : memref<!tpu.dma_semaphore, #tpu.memory_space<semaphore_mem>>
      %dma_start3A_7 = arith.constant 0 : i32
      %dma_start3A_8 = tpu.memref_slice %arg4[%mul3A_2, %dma_start3A_7] : memref<2048x768xf32, #tpu.memory_space<hbm>> -> memref<64x768xf32, #tpu.memory_space<hbm>>
      %dma_start3A_9 = arith.constant 0 : i32
      %dma_start3A_10 = tpu.memref_slice %arg4[%mul3A_2, %dma_start3A_9] : memref<2048x768xf32, #tpu.memory_space<hbm>> -> memref<64x768xf32, #tpu.memory_space<hbm>>
      tpu.enqueue_dma source(%arg6 : memref<64x768xf32, #tpu.memory_space<vmem>>) target(%dma_start3A_10 : memref<64x768xf32, #tpu.memory_space<hbm>>) target_semaphore(%run_scoped3A : memref<!tpu.dma_semaphore, #tpu.memory_space<semaphore_mem>>)
      %dma_wait3A_11 = arith.constant 0 : i32
      %dma_wait3A_12 = tpu.memref_slice %arg4[%mul3A_2, %dma_wait3A_11] : memref<2048x768xf32, #tpu.memory_space<hbm>> -> memref<64x768xf32, #tpu.memory_space<hbm>>
      %dma_wait3A_13 = arith.constant 0 : i32
      %dma_wait3A_14 = tpu.memref_slice %arg4[%mul3A_2, %dma_wait3A_13] : memref<2048x768xf32, #tpu.memory_space<hbm>> -> memref<64x768xf32, #tpu.memory_space<hbm>>
      tpu.wait_dma2 semaphore(%run_scoped3A : memref<!tpu.dma_semaphore, #tpu.memory_space<semaphore_mem>>) src(%arg6 : memref<64x768xf32, #tpu.memory_space<vmem>>) dst(%dma_wait3A_14 : memref<64x768xf32, #tpu.memory_space<hbm>>)
      tpu.yield
    }) : () -> ()
    return
  }
}

#map = affine_map<(d0, d1) -> (0, 0)>
#map1 = affine_map<(d0, d1) -> (0)>
module attributes {stable_mosaic.version = 14 : i64} {
  func.func @_sc_scatter(%arg0: i32, %arg1: i32, %arg2: memref<2048x768xf32, #tpu.memory_space<hbm>>, %arg3: memref<2048xi32, #tpu.memory_space<hbm>>, %arg4: memref<6144x768xf32, #tpu.memory_space<hbm>>, %arg5: memref<64xi32, #tpu.memory_space<vmem>>, %arg6: memref<64x768xf32, #tpu.memory_space<vmem>>, %arg7: memref<!tpu.dma_semaphore, #tpu.memory_space<semaphore_mem>>) attributes {dimension_semantics = [#tpu.dimension_semantics<core_parallel>, #tpu.dimension_semantics<subcore_parallel>], iteration_bounds = array<i64: 2, 16>, scalar_prefetch = 0 : i64, scratch_operands = 3 : i64, tpu.core_type = #tpu.core_type<sc_vector_subcore>, window_params = [{transform_indices = #map}, {transform_indices = #map1}, {transform_indices = #map}]} {
    %mul3A = arith.constant 2 : i32
    %mul3A_0 = arith.muli %arg1, %mul3A : i32
    %add3A = arith.addi %mul3A_0, %arg0 : i32
    %mul3A_1 = arith.constant 64 : i32
    %mul3A_2 = arith.muli %add3A, %mul3A_1 : i32
    "tpu.region"() ({
      %run_scoped3A = tpu.sem_alloc : memref<!tpu.dma_semaphore, #tpu.memory_space<semaphore_mem>>
      %dma_start3A_7 = tpu.memref_slice %arg3[%mul3A_2] : memref<2048xi32, #tpu.memory_space<hbm>> -> memref<64xi32, #tpu.memory_space<hbm>>
      %dma_start3A_8 = tpu.memref_slice %arg3[%mul3A_2] : memref<2048xi32, #tpu.memory_space<hbm>> -> memref<64xi32, #tpu.memory_space<hbm>>
      tpu.enqueue_dma source(%dma_start3A_8 : memref<64xi32, #tpu.memory_space<hbm>>) target(%arg5 : memref<64xi32, #tpu.memory_space<vmem>>) target_semaphore(%run_scoped3A : memref<!tpu.dma_semaphore, #tpu.memory_space<semaphore_mem>>)
      %dma_wait3A_9 = tpu.memref_slice %arg3[%mul3A_2] : memref<2048xi32, #tpu.memory_space<hbm>> -> memref<64xi32, #tpu.memory_space<hbm>>
      %dma_wait3A_10 = tpu.memref_slice %arg3[%mul3A_2] : memref<2048xi32, #tpu.memory_space<hbm>> -> memref<64xi32, #tpu.memory_space<hbm>>
      tpu.wait_dma2 semaphore(%run_scoped3A : memref<!tpu.dma_semaphore, #tpu.memory_space<semaphore_mem>>) src(%dma_wait3A_10 : memref<64xi32, #tpu.memory_space<hbm>>) dst(%arg5 : memref<64xi32, #tpu.memory_space<vmem>>)
      tpu.yield
    }) : () -> ()
    "tpu.region"() ({
      %run_scoped3A = tpu.sem_alloc : memref<!tpu.dma_semaphore, #tpu.memory_space<semaphore_mem>>
      %dma_start3A_7 = arith.constant 0 : i32
      %dma_start3A_8 = tpu.memref_slice %arg2[%mul3A_2, %dma_start3A_7] : memref<2048x768xf32, #tpu.memory_space<hbm>> -> memref<64x768xf32, #tpu.memory_space<hbm>>
      %dma_start3A_9 = arith.constant 0 : i32
      %dma_start3A_10 = tpu.memref_slice %arg2[%mul3A_2, %dma_start3A_9] : memref<2048x768xf32, #tpu.memory_space<hbm>> -> memref<64x768xf32, #tpu.memory_space<hbm>>
      tpu.enqueue_dma source(%dma_start3A_10 : memref<64x768xf32, #tpu.memory_space<hbm>>) target(%arg6 : memref<64x768xf32, #tpu.memory_space<vmem>>) target_semaphore(%run_scoped3A : memref<!tpu.dma_semaphore, #tpu.memory_space<semaphore_mem>>)
      %dma_wait3A_11 = arith.constant 0 : i32
      %dma_wait3A_12 = tpu.memref_slice %arg2[%mul3A_2, %dma_wait3A_11] : memref<2048x768xf32, #tpu.memory_space<hbm>> -> memref<64x768xf32, #tpu.memory_space<hbm>>
      %dma_wait3A_13 = arith.constant 0 : i32
      %dma_wait3A_14 = tpu.memref_slice %arg2[%mul3A_2, %dma_wait3A_13] : memref<2048x768xf32, #tpu.memory_space<hbm>> -> memref<64x768xf32, #tpu.memory_space<hbm>>
      tpu.wait_dma2 semaphore(%run_scoped3A : memref<!tpu.dma_semaphore, #tpu.memory_space<semaphore_mem>>) src(%dma_wait3A_14 : memref<64x768xf32, #tpu.memory_space<hbm>>) dst(%arg6 : memref<64x768xf32, #tpu.memory_space<vmem>>)
      tpu.yield
    }) : () -> ()
    %dma_start3A = arith.constant 0 : i32
    %dma_start3A_3 = arith.constant 0 : i32
    %dma_start3A_4 = tpu.memref_slice %arg4[%dma_start3A, %dma_start3A_3] : memref<6144x768xf32, #tpu.memory_space<hbm>> -> memref<6144x768xf32, #tpu.memory_space<hbm>>
    tpu.enqueue_indirect_dma source(%arg6 : memref<64x768xf32, #tpu.memory_space<vmem>>) target(%dma_start3A_4 : memref<6144x768xf32, #tpu.memory_space<hbm>>) offsets(%arg5 : memref<64xi32, #tpu.memory_space<vmem>>) semaphore(%arg7 : memref<!tpu.dma_semaphore, #tpu.memory_space<semaphore_mem>>)
    %dma_wait3A = arith.constant 0 : i32
    %dma_wait3A_5 = arith.constant 0 : i32
    %dma_wait3A_6 = tpu.memref_slice %arg4[%dma_wait3A, %dma_wait3A_5] : memref<6144x768xf32, #tpu.memory_space<hbm>> -> memref<6144x768xf32, #tpu.memory_space<hbm>>
    tpu.wait_indirect_dma semaphore(%arg7 : memref<!tpu.dma_semaphore, #tpu.memory_space<semaphore_mem>>) src(%arg6 : memref<64x768xf32, #tpu.memory_space<vmem>>) dst(%dma_wait3A_6 : memref<6144x768xf32, #tpu.memory_space<hbm>>)
    return
  }
}

module attributes {stable_mosaic.version = 14 : i64} {
  func.func @_ffn_body(%arg0: i32, %arg1: memref<24xi32, #tpu.memory_space<smem>>, %arg2: memref<1xi32, #tpu.memory_space<smem>>, %arg3: memref<256x768xf32, #tpu.memory_space<vmem>>, %arg4: memref<1x512x768xf32, #tpu.memory_space<vmem>>, %arg5: memref<1x512x768xf32, #tpu.memory_space<vmem>>, %arg6: memref<1x768x512xf32, #tpu.memory_space<vmem>>, %arg7: memref<256x768xf32, #tpu.memory_space<vmem>>) attributes {dimension_semantics = [#tpu.dimension_semantics<arbitrary>], iteration_bounds = array<i64: 24>, scalar_prefetch = 2 : i64, scratch_operands = 0 : i64, tpu.core_type = #tpu.core_type<tc>, window_params = [{transform_indices = @transform_0, window_bounds = array<i64: 256, 768>}, {transform_indices = @transform_1, window_bounds = array<i64: 1, 512, 768>}, {transform_indices = @transform_2, window_bounds = array<i64: 1, 512, 768>}, {transform_indices = @transform_3, window_bounds = array<i64: 1, 768, 512>}, {transform_indices = @transform_4, window_bounds = array<i64: 256, 768>}]} {
    %get3A = arith.constant 0 : index
    %get3A_0 = memref.load %arg2[%get3A] : memref<1xi32, #tpu.memory_space<smem>>
    %lt3A = arith.cmpi slt, %arg0, %get3A_0 : i32
    %convert_element_type3A = arith.extui %lt3A : i1 to i32
    %cond3A = arith.constant 0 : i32
    %cond3A_1 = arith.cmpi ne, %convert_element_type3A, %cond3A : i32
    scf.if %cond3A_1 {
      %get3A_2 = arith.constant 0 : index
      %get3A_3 = arith.constant 0 : index
      %get3A_4 = vector.load %arg3[%get3A_2, %get3A_3] : memref<256x768xf32, #tpu.memory_space<vmem>>, vector<256x768xf32>
      %get3A_5 = arith.constant 0 : index
      %get3A_6 = arith.constant 0 : index
      %get3A_7 = arith.constant 0 : index
      %get3A_8 = vector.load %arg4[%get3A_5, %get3A_6, %get3A_7] : memref<1x512x768xf32, #tpu.memory_space<vmem>>, vector<1x512x768xf32>
      %get3A_9 = vector.shape_cast %get3A_8 : vector<1x512x768xf32> to vector<512x768xf32>
      %get3A_10 = arith.constant 0 : index
      %get3A_11 = arith.constant 0 : index
      %get3A_12 = arith.constant 0 : index
      %get3A_13 = vector.load %arg5[%get3A_10, %get3A_11, %get3A_12] : memref<1x512x768xf32, #tpu.memory_space<vmem>>, vector<1x512x768xf32>
      %get3A_14 = vector.shape_cast %get3A_13 : vector<1x512x768xf32> to vector<512x768xf32>
      %get3A_15 = arith.constant 0 : index
      %get3A_16 = arith.constant 0 : index
      %get3A_17 = arith.constant 0 : index
      %get3A_18 = vector.load %arg6[%get3A_15, %get3A_16, %get3A_17] : memref<1x768x512xf32, #tpu.memory_space<vmem>>, vector<1x768x512xf32>
      %get3A_19 = vector.shape_cast %get3A_18 : vector<1x768x512xf32> to vector<768x512xf32>
      %dot_general3A = arith.constant dense<0.000000e+00> : vector<256x512xf32>
      %dot_general3A_20 = tpu.matmul %get3A_4, %get3A_9, %dot_general3A {dimension_numbers = #tpu.dot_dimension_numbers<[1], [1], [0], [0], [0, 0, 1, 0], [], []>, transpose_lhs_hint = false} : vector<256x768xf32>, vector<512x768xf32>, vector<256x512xf32> -> vector<256x512xf32>
      %dot_general3A_21 = arith.constant dense<0.000000e+00> : vector<256x512xf32>
      %dot_general3A_22 = tpu.matmul %get3A_4, %get3A_14, %dot_general3A_21 {dimension_numbers = #tpu.dot_dimension_numbers<[1], [1], [0], [0], [0, 0, 1, 0], [], []>, transpose_lhs_hint = false} : vector<256x768xf32>, vector<512x768xf32>, vector<256x512xf32> -> vector<256x512xf32>
      %logistic3A = arith.negf %dot_general3A_20 : vector<256x512xf32>
      %logistic3A_23 = math.exp %logistic3A : vector<256x512xf32>
      %logistic3A_24 = arith.constant 1.000000e+00 : f32
      %logistic3A_25 = vector.broadcast %logistic3A_24 : f32 to vector<256x512xf32>
      %logistic3A_26 = arith.addf %logistic3A_25, %logistic3A_23 : vector<256x512xf32>
      %logistic3A_27 = arith.divf %logistic3A_25, %logistic3A_26 : vector<256x512xf32>
      %mul3A = arith.mulf %dot_general3A_20, %logistic3A_27 : vector<256x512xf32>
      %mul3A_28 = arith.mulf %mul3A, %dot_general3A_22 : vector<256x512xf32>
      %dot_general3A_29 = arith.constant dense<0.000000e+00> : vector<256x768xf32>
      %dot_general3A_30 = tpu.matmul %mul3A_28, %get3A_19, %dot_general3A_29 {dimension_numbers = #tpu.dot_dimension_numbers<[1], [1], [0], [0], [0, 0, 1, 0], [], []>, transpose_lhs_hint = false} : vector<256x512xf32>, vector<768x512xf32>, vector<256x768xf32> -> vector<256x768xf32>
      %swap3A = arith.constant 0 : index
      %swap3A_31 = arith.constant 0 : index
      %swap3A_32 = vector.load %arg7[%swap3A, %swap3A_31] : memref<256x768xf32, #tpu.memory_space<vmem>>, vector<256x768xf32>
      tpu.vector_store %arg7[%swap3A, %swap3A_31], %dot_general3A_30 {strides = array<i32>} : memref<256x768xf32, #tpu.memory_space<vmem>>, vector<256x768xf32>,
    } else {
    }
    return
  }
  func.func @transform_0(%arg0: i32, %arg1: memref<24xi32, #tpu.memory_space<smem>>, %arg2: memref<1xi32, #tpu.memory_space<smem>>) -> (i32, i32) {
    %get3A = arith.constant 0 : index
    %get3A_0 = memref.load %arg2[%get3A] : memref<1xi32, #tpu.memory_space<smem>>
    %sub3A = arith.constant 1 : i32
    %sub3A_1 = arith.subi %get3A_0, %sub3A : i32
    %min3A = arith.minsi %arg0, %sub3A_1 : i32
    %c0_i32 = arith.constant 0 : i32
    %c0_i32_2 = arith.constant 0 : i32
    return %min3A, %c0_i32 : i32, i32
  }
  func.func @transform_1(%arg0: i32, %arg1: memref<24xi32, #tpu.memory_space<smem>>, %arg2: memref<1xi32, #tpu.memory_space<smem>>) -> (i32, i32, i32) {
    %get3A = arith.index_cast %arg0 : i32 to index
    %get3A_0 = memref.load %arg1[%get3A] : memref<24xi32, #tpu.memory_space<smem>>
    %c0_i32 = arith.constant 0 : i32
    %c0_i32_1 = arith.constant 0 : i32
    %c0_i32_2 = arith.constant 0 : i32
    return %get3A_0, %c0_i32, %c0_i32_1 : i32, i32, i32
  }
  func.func @transform_2(%arg0: i32, %arg1: memref<24xi32, #tpu.memory_space<smem>>, %arg2: memref<1xi32, #tpu.memory_space<smem>>) -> (i32, i32, i32) {
    %get3A = arith.index_cast %arg0 : i32 to index
    %get3A_0 = memref.load %arg1[%get3A] : memref<24xi32, #tpu.memory_space<smem>>
    %c0_i32 = arith.constant 0 : i32
    %c0_i32_1 = arith.constant 0 : i32
    %c0_i32_2 = arith.constant 0 : i32
    return %get3A_0, %c0_i32, %c0_i32_1 : i32, i32, i32
  }
  func.func @transform_3(%arg0: i32, %arg1: memref<24xi32, #tpu.memory_space<smem>>, %arg2: memref<1xi32, #tpu.memory_space<smem>>) -> (i32, i32, i32) {
    %get3A = arith.index_cast %arg0 : i32 to index
    %get3A_0 = memref.load %arg1[%get3A] : memref<24xi32, #tpu.memory_space<smem>>
    %c0_i32 = arith.constant 0 : i32
    %c0_i32_1 = arith.constant 0 : i32
    %c0_i32_2 = arith.constant 0 : i32
    return %get3A_0, %c0_i32, %c0_i32_1 : i32, i32, i32
  }
  func.func @transform_4(%arg0: i32, %arg1: memref<24xi32, #tpu.memory_space<smem>>, %arg2: memref<1xi32, #tpu.memory_space<smem>>) -> (i32, i32) {
    %get3A = arith.constant 0 : index
    %get3A_0 = memref.load %arg2[%get3A] : memref<1xi32, #tpu.memory_space<smem>>
    %sub3A = arith.constant 1 : i32
    %sub3A_1 = arith.subi %get3A_0, %sub3A : i32
    %min3A = arith.minsi %arg0, %sub3A_1 : i32
    %c0_i32 = arith.constant 0 : i32
    %c0_i32_2 = arith.constant 0 : i32
    return %min3A, %c0_i32 : i32, i32
  }
}

module attributes {stable_mosaic.version = 14 : i64} {
  func.func @_router_body(%arg0: memref<2048x768xf32, #tpu.memory_space<vmem>>, %arg1: memref<16x768xf32, #tpu.memory_space<vmem>>, %arg2: memref<2048x1xi32, #tpu.memory_space<vmem>>, %arg3: memref<24x1xi32, #tpu.memory_space<vmem>>, %arg4: memref<1x1xi32, #tpu.memory_space<vmem>>, %arg5: memref<1x1xf32, #tpu.memory_space<vmem>>) attributes {dimension_semantics = [], scalar_prefetch = 0 : i64, scratch_operands = 0 : i64, tpu.core_type = #tpu.core_type<tc>} {
    %get3A = arith.constant 0 : index
    %get3A_0 = arith.constant 0 : index
    %get3A_1 = vector.load %arg0[%get3A, %get3A_0] : memref<2048x768xf32, #tpu.memory_space<vmem>>, vector<2048x768xf32>
    %get3A_2 = arith.constant 0 : index
    %get3A_3 = arith.constant 0 : index
    %get3A_4 = vector.load %arg1[%get3A_2, %get3A_3] : memref<16x768xf32, #tpu.memory_space<vmem>>, vector<16x768xf32>
    %dot_general3A = arith.constant dense<0.000000e+00> : vector<2048x16xf32>
    %dot_general3A_5 = tpu.matmul %get3A_1, %get3A_4, %dot_general3A {dimension_numbers = #tpu.dot_dimension_numbers<[1], [1], [0], [0], [0, 0, 1, 0], [], []>, transpose_lhs_hint = false} : vector<2048x768xf32>, vector<16x768xf32>, vector<2048x16xf32> -> vector<2048x16xf32>
    %reduce_max3A = arith.constant dense<0xFF800000> : vector<2048xf32>
    %reduce_max3A_6 = vector.multi_reduction <maximumf>, %dot_general3A_5, %reduce_max3A [1] : vector<2048x16xf32> to vector<2048xf32>
    %broadcast_in_dim3A = vector.shape_cast %reduce_max3A_6 : vector<2048xf32> to vector<2048x1xf32>
    %sub3A = vector.broadcast %broadcast_in_dim3A : vector<2048x1xf32> to vector<2048x16xf32>
    %sub3A_7 = arith.subf %dot_general3A_5, %sub3A : vector<2048x16xf32>
    %exp3A = math.exp %sub3A_7 : vector<2048x16xf32>
    %reduce_sum3A = arith.constant dense<0.000000e+00> : vector<2048xf32>
    %reduce_sum3A_8 = vector.multi_reduction <add>, %exp3A, %reduce_sum3A [1] : vector<2048x16xf32> to vector<2048xf32>
    %broadcast_in_dim3A_9 = vector.shape_cast %reduce_sum3A_8 : vector<2048xf32> to vector<2048x1xf32>
    %div3A = vector.broadcast %broadcast_in_dim3A_9 : vector<2048x1xf32> to vector<2048x16xf32>
    %div3A_10 = arith.divf %exp3A, %div3A : vector<2048x16xf32>
    %iota3A = tpu.iota {dimensions = array<i32: 1>} : vector<2048x16xi32>
    %eq3A = vector.broadcast %broadcast_in_dim3A : vector<2048x1xf32> to vector<2048x16xf32>
    %eq3A_11 = arith.cmpf oeq, %dot_general3A_5, %eq3A : vector<2048x16xf32>
    %jit3A = arith.constant 16 : i32
    %broadcast_in_dim3A_12 = vector.broadcast %jit3A : i32 to vector<2048x16xi32>
    %select_n3A = arith.select %eq3A_11, %iota3A, %broadcast_in_dim3A_12 : vector<2048x16xi1>, vector<2048x16xi32>
    %reduce_min3A = arith.constant dense<2147483647> : vector<2048xi32>
    %reduce_min3A_13 = vector.multi_reduction <minsi>, %select_n3A, %reduce_min3A [1] : vector<2048x16xi32> to vector<2048xi32>
    %broadcast_in_dim3A_14 = vector.shape_cast %reduce_min3A_13 : vector<2048xi32> to vector<2048x1xi32>
    %eq3A_15 = vector.broadcast %broadcast_in_dim3A_14 : vector<2048x1xi32> to vector<2048x16xi32>
    %eq3A_16 = arith.cmpi eq, %iota3A, %eq3A_15 : vector<2048x16xi32>
    %convert_element_type3A = arith.extui %eq3A_16 : vector<2048x16xi1> to vector<2048x16xi32>
    %reduce_sum3A_17 = arith.constant dense<0> : vector<16xi32>
    %reduce_sum3A_18 = vector.multi_reduction <add>, %convert_element_type3A, %reduce_sum3A_17 [0] : vector<2048x16xi32> to vector<16xi32>
    %broadcast_in_dim3A_19 = vector.shape_cast %reduce_sum3A_18 : vector<16xi32> to vector<1x16xi32>
    %broadcast_in_dim3A_20 = arith.constant 0 : i32
    %broadcast_in_dim3A_21 = vector.broadcast %broadcast_in_dim3A_20 : i32 to vector<1x16xi32>
    %slice3A = vector.extract_strided_slice %convert_element_type3A {offsets = [0, 0], sizes = [2047, 16], strides = [1, 1]} : vector<2048x16xi32> to vector<2047x16xi32>
    %concatenate3A = tpu.concatenate %broadcast_in_dim3A_21, %slice3A in 0 : vector<1x16xi32>, vector<2047x16xi32> -> vector<2048x16xi32>
    %add3A = arith.addi %convert_element_type3A, %concatenate3A : vector<2048x16xi32>
    %broadcast_in_dim3A_22 = arith.constant 0 : i32
    %broadcast_in_dim3A_23 = vector.broadcast %broadcast_in_dim3A_22 : i32 to vector<2x16xi32>
    %slice3A_24 = vector.extract_strided_slice %add3A {offsets = [0, 0], sizes = [2046, 16], strides = [1, 1]} : vector<2048x16xi32> to vector<2046x16xi32>
    %concatenate3A_25 = tpu.concatenate %broadcast_in_dim3A_23, %slice3A_24 in 0 : vector<2x16xi32>, vector<2046x16xi32> -> vector<2048x16xi32>
    %add3A_26 = arith.addi %add3A, %concatenate3A_25 : vector<2048x16xi32>
    %broadcast_in_dim3A_27 = arith.constant 0 : i32
    %broadcast_in_dim3A_28 = vector.broadcast %broadcast_in_dim3A_27 : i32 to vector<4x16xi32>
    %slice3A_29 = vector.extract_strided_slice %add3A_26 {offsets = [0, 0], sizes = [2044, 16], strides = [1, 1]} : vector<2048x16xi32> to vector<2044x16xi32>
    %concatenate3A_30 = tpu.concatenate %broadcast_in_dim3A_28, %slice3A_29 in 0 : vector<4x16xi32>, vector<2044x16xi32> -> vector<2048x16xi32>
    %add3A_31 = arith.addi %add3A_26, %concatenate3A_30 : vector<2048x16xi32>
    %broadcast_in_dim3A_32 = arith.constant 0 : i32
    %broadcast_in_dim3A_33 = vector.broadcast %broadcast_in_dim3A_32 : i32 to vector<8x16xi32>
    %slice3A_34 = vector.extract_strided_slice %add3A_31 {offsets = [0, 0], sizes = [2040, 16], strides = [1, 1]} : vector<2048x16xi32> to vector<2040x16xi32>
    %concatenate3A_35 = tpu.concatenate %broadcast_in_dim3A_33, %slice3A_34 in 0 : vector<8x16xi32>, vector<2040x16xi32> -> vector<2048x16xi32>
    %add3A_36 = arith.addi %add3A_31, %concatenate3A_35 : vector<2048x16xi32>
    %broadcast_in_dim3A_37 = arith.constant 0 : i32
    %broadcast_in_dim3A_38 = vector.broadcast %broadcast_in_dim3A_37 : i32 to vector<16x16xi32>
    %slice3A_39 = vector.extract_strided_slice %add3A_36 {offsets = [0, 0], sizes = [2032, 16], strides = [1, 1]} : vector<2048x16xi32> to vector<2032x16xi32>
    %concatenate3A_40 = tpu.concatenate %broadcast_in_dim3A_38, %slice3A_39 in 0 : vector<16x16xi32>, vector<2032x16xi32> -> vector<2048x16xi32>
    %add3A_41 = arith.addi %add3A_36, %concatenate3A_40 : vector<2048x16xi32>
    %broadcast_in_dim3A_42 = arith.constant 0 : i32
    %broadcast_in_dim3A_43 = vector.broadcast %broadcast_in_dim3A_42 : i32 to vector<32x16xi32>
    %slice3A_44 = vector.extract_strided_slice %add3A_41 {offsets = [0, 0], sizes = [2016, 16], strides = [1, 1]} : vector<2048x16xi32> to vector<2016x16xi32>
    %concatenate3A_45 = tpu.concatenate %broadcast_in_dim3A_43, %slice3A_44 in 0 : vector<32x16xi32>, vector<2016x16xi32> -> vector<2048x16xi32>
    %add3A_46 = arith.addi %add3A_41, %concatenate3A_45 : vector<2048x16xi32>
    %broadcast_in_dim3A_47 = arith.constant 0 : i32
    %broadcast_in_dim3A_48 = vector.broadcast %broadcast_in_dim3A_47 : i32 to vector<64x16xi32>
    %slice3A_49 = vector.extract_strided_slice %add3A_46 {offsets = [0, 0], sizes = [1984, 16], strides = [1, 1]} : vector<2048x16xi32> to vector<1984x16xi32>
    %concatenate3A_50 = tpu.concatenate %broadcast_in_dim3A_48, %slice3A_49 in 0 : vector<64x16xi32>, vector<1984x16xi32> -> vector<2048x16xi32>
    %add3A_51 = arith.addi %add3A_46, %concatenate3A_50 : vector<2048x16xi32>
    %broadcast_in_dim3A_52 = arith.constant 0 : i32
    %broadcast_in_dim3A_53 = vector.broadcast %broadcast_in_dim3A_52 : i32 to vector<128x16xi32>
    %slice3A_54 = vector.extract_strided_slice %add3A_51 {offsets = [0, 0], sizes = [1920, 16], strides = [1, 1]} : vector<2048x16xi32> to vector<1920x16xi32>
    %concatenate3A_55 = tpu.concatenate %broadcast_in_dim3A_53, %slice3A_54 in 0 : vector<128x16xi32>, vector<1920x16xi32> -> vector<2048x16xi32>
    %add3A_56 = arith.addi %add3A_51, %concatenate3A_55 : vector<2048x16xi32>
    %broadcast_in_dim3A_57 = arith.constant 0 : i32
    %broadcast_in_dim3A_58 = vector.broadcast %broadcast_in_dim3A_57 : i32 to vector<256x16xi32>
    %slice3A_59 = vector.extract_strided_slice %add3A_56 {offsets = [0, 0], sizes = [1792, 16], strides = [1, 1]} : vector<2048x16xi32> to vector<1792x16xi32>
    %concatenate3A_60 = tpu.concatenate %broadcast_in_dim3A_58, %slice3A_59 in 0 : vector<256x16xi32>, vector<1792x16xi32> -> vector<2048x16xi32>
    %add3A_61 = arith.addi %add3A_56, %concatenate3A_60 : vector<2048x16xi32>
    %broadcast_in_dim3A_62 = arith.constant 0 : i32
    %broadcast_in_dim3A_63 = vector.broadcast %broadcast_in_dim3A_62 : i32 to vector<512x16xi32>
    %slice3A_64 = vector.extract_strided_slice %add3A_61 {offsets = [0, 0], sizes = [1536, 16], strides = [1, 1]} : vector<2048x16xi32> to vector<1536x16xi32>
    %concatenate3A_65 = tpu.concatenate %broadcast_in_dim3A_63, %slice3A_64 in 0 : vector<512x16xi32>, vector<1536x16xi32> -> vector<2048x16xi32>
    %add3A_66 = arith.addi %add3A_61, %concatenate3A_65 : vector<2048x16xi32>
    %broadcast_in_dim3A_67 = arith.constant 0 : i32
    %broadcast_in_dim3A_68 = vector.broadcast %broadcast_in_dim3A_67 : i32 to vector<1024x16xi32>
    %slice3A_69 = vector.extract_strided_slice %add3A_66 {offsets = [0, 0], sizes = [1024, 16], strides = [1, 1]} : vector<2048x16xi32> to vector<1024x16xi32>
    %concatenate3A_70 = tpu.concatenate %broadcast_in_dim3A_68, %slice3A_69 in 0 : vector<1024x16xi32>, vector<1024x16xi32> -> vector<2048x16xi32>
    %add3A_71 = arith.addi %add3A_66, %concatenate3A_70 : vector<2048x16xi32>
    %mul3A = arith.muli %convert_element_type3A, %add3A_71 : vector<2048x16xi32>
    %reduce_sum3A_72 = arith.constant dense<0> : vector<2048xi32>
    %reduce_sum3A_73 = vector.multi_reduction <add>, %mul3A, %reduce_sum3A_72 [1] : vector<2048x16xi32> to vector<2048xi32>
    %broadcast_in_dim3A_74 = vector.shape_cast %reduce_sum3A_73 : vector<2048xi32> to vector<2048x1xi32>
    %sub3A_75 = arith.constant 1 : i32
    %sub3A_76 = vector.broadcast %sub3A_75 : i32 to vector<2048x1xi32>
    %sub3A_77 = arith.subi %broadcast_in_dim3A_74, %sub3A_76 : vector<2048x1xi32>
    %add3A_78 = arith.constant 255 : i32
    %add3A_79 = vector.broadcast %add3A_78 : i32 to vector<1x16xi32>
    %add3A_80 = arith.addi %broadcast_in_dim3A_19, %add3A_79 : vector<1x16xi32>
    %shift_right_logical3A = arith.constant 8 : i32
    %shift_right_logical3A_81 = vector.broadcast %shift_right_logical3A : i32 to vector<1x16xi32>
    %shift_right_logical3A_82 = arith.shrui %add3A_80, %shift_right_logical3A_81 : vector<1x16xi32>
    %broadcast_in_dim3A_83 = arith.constant 0 : i32
    %broadcast_in_dim3A_84 = vector.broadcast %broadcast_in_dim3A_83 : i32 to vector<1x1xi32>
    %slice3A_85 = vector.extract_strided_slice %shift_right_logical3A_82 {offsets = [0, 0], sizes = [1, 15], strides = [1, 1]} : vector<1x16xi32> to vector<1x15xi32>
    %concatenate3A_86 = tpu.concatenate %broadcast_in_dim3A_84, %slice3A_85 in 1 : vector<1x1xi32>, vector<1x15xi32> -> vector<1x16xi32>
    %add3A_87 = arith.addi %shift_right_logical3A_82, %concatenate3A_86 : vector<1x16xi32>
    %broadcast_in_dim3A_88 = arith.constant 0 : i32
    %broadcast_in_dim3A_89 = vector.broadcast %broadcast_in_dim3A_88 : i32 to vector<1x2xi32>
    %slice3A_90 = vector.extract_strided_slice %add3A_87 {offsets = [0, 0], sizes = [1, 14], strides = [1, 1]} : vector<1x16xi32> to vector<1x14xi32>
    %concatenate3A_91 = tpu.concatenate %broadcast_in_dim3A_89, %slice3A_90 in 1 : vector<1x2xi32>, vector<1x14xi32> -> vector<1x16xi32>
    %add3A_92 = arith.addi %add3A_87, %concatenate3A_91 : vector<1x16xi32>
    %broadcast_in_dim3A_93 = arith.constant 0 : i32
    %broadcast_in_dim3A_94 = vector.broadcast %broadcast_in_dim3A_93 : i32 to vector<1x4xi32>
    %slice3A_95 = vector.extract_strided_slice %add3A_92 {offsets = [0, 0], sizes = [1, 12], strides = [1, 1]} : vector<1x16xi32> to vector<1x12xi32>
    %concatenate3A_96 = tpu.concatenate %broadcast_in_dim3A_94, %slice3A_95 in 1 : vector<1x4xi32>, vector<1x12xi32> -> vector<1x16xi32>
    %add3A_97 = arith.addi %add3A_92, %concatenate3A_96 : vector<1x16xi32>
    %broadcast_in_dim3A_98 = arith.constant 0 : i32
    %broadcast_in_dim3A_99 = vector.broadcast %broadcast_in_dim3A_98 : i32 to vector<1x8xi32>
    %slice3A_100 = vector.extract_strided_slice %add3A_97 {offsets = [0, 0], sizes = [1, 8], strides = [1, 1]} : vector<1x16xi32> to vector<1x8xi32>
    %concatenate3A_101 = tpu.concatenate %broadcast_in_dim3A_99, %slice3A_100 in 1 : vector<1x8xi32>, vector<1x8xi32> -> vector<1x16xi32>
    %add3A_102 = arith.addi %add3A_97, %concatenate3A_101 : vector<1x16xi32>
    %sub3A_103 = arith.subi %add3A_102, %shift_right_logical3A_82 : vector<1x16xi32>
    %shift_left3A = arith.constant 8 : i32
    %shift_left3A_104 = vector.broadcast %shift_left3A : i32 to vector<1x16xi32>
    %shift_left3A_105 = arith.shli %sub3A_103, %shift_left3A_104 : vector<1x16xi32>
    %reduce_max3A_106 = arith.constant dense<-2147483648> : vector<1xi32>
    %reduce_max3A_107 = vector.multi_reduction <maxsi>, %add3A_102, %reduce_max3A_106 [1] : vector<1x16xi32> to vector<1xi32>
    %broadcast_in_dim3A_108 = vector.shape_cast %reduce_max3A_107 : vector<1xi32> to vector<1x1xi32>
    %mul3A_109 = vector.broadcast %shift_left3A_105 : vector<1x16xi32> to vector<2048x16xi32>
    %mul3A_110 = arith.muli %convert_element_type3A, %mul3A_109 : vector<2048x16xi32>
    %reduce_sum3A_111 = arith.constant dense<0> : vector<2048xi32>
    %reduce_sum3A_112 = vector.multi_reduction <add>, %mul3A_110, %reduce_sum3A_111 [1] : vector<2048x16xi32> to vector<2048xi32>
    %broadcast_in_dim3A_113 = vector.shape_cast %reduce_sum3A_112 : vector<2048xi32> to vector<2048x1xi32>
    %add3A_114 = arith.addi %broadcast_in_dim3A_113, %sub3A_77 : vector<2048x1xi32>
    %iota3A_115 = tpu.iota {dimensions = array<i32: 1>} : vector<1x16xi32>
    %gt3A = arith.constant 0 : i32
    %gt3A_116 = vector.broadcast %gt3A : i32 to vector<1x16xi32>
    %gt3A_117 = arith.cmpi sgt, %broadcast_in_dim3A_19, %gt3A_116 : vector<1x16xi32>
    %jit3A_118 = arith.constant 0 : i32
    %broadcast_in_dim3A_119 = vector.broadcast %jit3A_118 : i32 to vector<1x16xi32>
    %select_n3A_120 = arith.select %gt3A_117, %iota3A_115, %broadcast_in_dim3A_119 : vector<1x16xi1>, vector<1x16xi32>
    %reduce_max3A_121 = arith.constant dense<-2147483648> : vector<1xi32>
    %reduce_max3A_122 = vector.multi_reduction <maxsi>, %select_n3A_120, %reduce_max3A_121 [1] : vector<1x16xi32> to vector<1xi32>
    %broadcast_in_dim3A_123 = vector.shape_cast %reduce_max3A_122 : vector<1xi32> to vector<1x1xi32>
    %iota3A_124 = tpu.iota {dimensions = array<i32: 0>} : vector<24x16xi32>
    %broadcast_in_dim3A_125 = vector.shape_cast %add3A_102 : vector<1x16xi32> to vector<1x16xi32>
    %broadcast_in_dim3A_126 = vector.broadcast %broadcast_in_dim3A_125 : vector<1x16xi32> to vector<24x16xi32>
    %ge3A = arith.cmpi sge, %iota3A_124, %broadcast_in_dim3A_126 : vector<24x16xi32>
    %convert_element_type3A_127 = arith.extui %ge3A : vector<24x16xi1> to vector<24x16xi32>
    %reduce_sum3A_128 = arith.constant dense<0> : vector<24xi32>
    %reduce_sum3A_129 = vector.multi_reduction <add>, %convert_element_type3A_127, %reduce_sum3A_128 [1] : vector<24x16xi32> to vector<24xi32>
    %broadcast_in_dim3A_130 = vector.shape_cast %reduce_sum3A_129 : vector<24xi32> to vector<24x1xi32>
    %min3A = vector.broadcast %broadcast_in_dim3A_123 : vector<1x1xi32> to vector<24x1xi32>
    %min3A_131 = arith.minsi %broadcast_in_dim3A_130, %min3A : vector<24x1xi32>
    %convert_element_type3A_132 = arith.sitofp %broadcast_in_dim3A_19 : vector<1x16xi32> to vector<1x16xf32>
    %reduce_sum3A_133 = arith.constant dense<0.000000e+00> : vector<16xf32>
    %reduce_sum3A_134 = vector.multi_reduction <add>, %div3A_10, %reduce_sum3A_133 [0] : vector<2048x16xf32> to vector<16xf32>
    %broadcast_in_dim3A_135 = vector.shape_cast %reduce_sum3A_134 : vector<16xf32> to vector<1x16xf32>
    %mul3A_136 = arith.mulf %convert_element_type3A_132, %broadcast_in_dim3A_135 : vector<1x16xf32>
    %reduce_sum3A_137 = arith.constant dense<0.000000e+00> : vector<1xf32>
    %reduce_sum3A_138 = vector.multi_reduction <add>, %mul3A_136, %reduce_sum3A_137 [1] : vector<1x16xf32> to vector<1xf32>
    %broadcast_in_dim3A_139 = vector.shape_cast %reduce_sum3A_138 : vector<1xf32> to vector<1x1xf32>
    %mul3A_140 = arith.constant 3.81469718E-8 : f32
    %mul3A_141 = vector.broadcast %mul3A_140 : f32 to vector<1x1xf32>
    %mul3A_142 = arith.mulf %mul3A_141, %broadcast_in_dim3A_139 : vector<1x1xf32>
    %swap3A = arith.constant 0 : index
    %swap3A_143 = arith.constant 0 : index
    %swap3A_144 = vector.load %arg2[%swap3A, %swap3A_143] : memref<2048x1xi32, #tpu.memory_space<vmem>>, vector<2048x1xi32>
    tpu.vector_store %arg2[%swap3A, %swap3A_143], %add3A_114 {strides = array<i32>} : memref<2048x1xi32, #tpu.memory_space<vmem>>, vector<2048x1xi32>,
    %swap3A_145 = arith.constant 0 : index
    %swap3A_146 = arith.constant 0 : index
    %swap3A_147 = vector.load %arg3[%swap3A_145, %swap3A_146] : memref<24x1xi32, #tpu.memory_space<vmem>>, vector<24x1xi32>
    tpu.vector_store %arg3[%swap3A_145, %swap3A_146], %min3A_131 {strides = array<i32>} : memref<24x1xi32, #tpu.memory_space<vmem>>, vector<24x1xi32>,
    %swap3A_148 = arith.constant 0 : index
    %swap3A_149 = arith.constant 0 : index
    %swap3A_150 = vector.load %arg4[%swap3A_148, %swap3A_149] : memref<1x1xi32, #tpu.memory_space<vmem>>, vector<1x1xi32>
    tpu.vector_store %arg4[%swap3A_148, %swap3A_149], %broadcast_in_dim3A_108 {strides = array<i32>} : memref<1x1xi32, #tpu.memory_space<vmem>>, vector<1x1xi32>,
    %swap3A_151 = arith.constant 0 : index
    %swap3A_152 = arith.constant 0 : index
    %swap3A_153 = vector.load %arg5[%swap3A_151, %swap3A_152] : memref<1x1xf32, #tpu.memory_space<vmem>>, vector<1x1xf32>
    tpu.vector_store %arg5[%swap3A_151, %swap3A_152], %mul3A_142 {strides = array<i32>} : memref<1x1xf32, #tpu.memory_space<vmem>>, vector<1x1xf32>,
    return
  }
}

module attributes {stable_mosaic.version = 14 : i64} {
  func.func @_shared_body(%arg0: i32, %arg1: memref<512x768xf32, #tpu.memory_space<vmem>>, %arg2: memref<512x768xf32, #tpu.memory_space<vmem>>, %arg3: memref<256x768xf32, #tpu.memory_space<vmem>>, %arg4: memref<256x768xf32, #tpu.memory_space<vmem>>, %arg5: memref<768x256xf32, #tpu.memory_space<vmem>>, %arg6: memref<512x768xf32, #tpu.memory_space<vmem>>) attributes {dimension_semantics = [#tpu.dimension_semantics<arbitrary>], iteration_bounds = array<i64: 4>, scalar_prefetch = 0 : i64, scratch_operands = 0 : i64, tpu.core_type = #tpu.core_type<tc>, window_params = [{transform_indices = @transform_0, window_bounds = array<i64: 512, 768>}, {transform_indices = @transform_1, window_bounds = array<i64: 512, 768>}, {pipeline_mode = #tpu.pipeline_mode<synchronous>, transform_indices = @transform_2, window_bounds = array<i64: 256, 768>}, {pipeline_mode = #tpu.pipeline_mode<synchronous>, transform_indices = @transform_3, window_bounds = array<i64: 256, 768>}, {pipeline_mode = #tpu.pipeline_mode<synchronous>, transform_indices = @transform_4, window_bounds = array<i64: 768, 256>}, {transform_indices = @transform_5, window_bounds = array<i64: 512, 768>}]} {
    %get3A = arith.constant 0 : index
    %get3A_0 = arith.constant 0 : index
    %get3A_1 = vector.load %arg1[%get3A, %get3A_0] : memref<512x768xf32, #tpu.memory_space<vmem>>, vector<512x768xf32>
    %get3A_2 = arith.constant 0 : index
    %get3A_3 = arith.constant 0 : index
    %get3A_4 = vector.load %arg3[%get3A_2, %get3A_3] : memref<256x768xf32, #tpu.memory_space<vmem>>, vector<256x768xf32>
    %dot_general3A = arith.constant dense<0.000000e+00> : vector<512x256xf32>
    %dot_general3A_5 = tpu.matmul %get3A_1, %get3A_4, %dot_general3A {dimension_numbers = #tpu.dot_dimension_numbers<[1], [1], [0], [0], [0, 0, 1, 0], [], []>, transpose_lhs_hint = false} : vector<512x768xf32>, vector<256x768xf32>, vector<512x256xf32> -> vector<512x256xf32>
    %get3A_6 = arith.constant 0 : index
    %get3A_7 = arith.constant 0 : index
    %get3A_8 = vector.load %arg4[%get3A_6, %get3A_7] : memref<256x768xf32, #tpu.memory_space<vmem>>, vector<256x768xf32>
    %dot_general3A_9 = arith.constant dense<0.000000e+00> : vector<512x256xf32>
    %dot_general3A_10 = tpu.matmul %get3A_1, %get3A_8, %dot_general3A_9 {dimension_numbers = #tpu.dot_dimension_numbers<[1], [1], [0], [0], [0, 0, 1, 0], [], []>, transpose_lhs_hint = false} : vector<512x768xf32>, vector<256x768xf32>, vector<512x256xf32> -> vector<512x256xf32>
    %logistic3A = arith.negf %dot_general3A_5 : vector<512x256xf32>
    %logistic3A_11 = math.exp %logistic3A : vector<512x256xf32>
    %logistic3A_12 = arith.constant 1.000000e+00 : f32
    %logistic3A_13 = vector.broadcast %logistic3A_12 : f32 to vector<512x256xf32>
    %logistic3A_14 = arith.addf %logistic3A_13, %logistic3A_11 : vector<512x256xf32>
    %logistic3A_15 = arith.divf %logistic3A_13, %logistic3A_14 : vector<512x256xf32>
    %mul3A = arith.mulf %dot_general3A_5, %logistic3A_15 : vector<512x256xf32>
    %mul3A_16 = arith.mulf %mul3A, %dot_general3A_10 : vector<512x256xf32>
    %get3A_17 = arith.constant 0 : index
    %get3A_18 = arith.constant 0 : index
    %get3A_19 = vector.load %arg5[%get3A_17, %get3A_18] : memref<768x256xf32, #tpu.memory_space<vmem>>, vector<768x256xf32>
    %dot_general3A_20 = arith.constant dense<0.000000e+00> : vector<512x768xf32>
    %dot_general3A_21 = tpu.matmul %mul3A_16, %get3A_19, %dot_general3A_20 {dimension_numbers = #tpu.dot_dimension_numbers<[1], [1], [0], [0], [0, 0, 1, 0], [], []>, transpose_lhs_hint = false} : vector<512x256xf32>, vector<768x256xf32>, vector<512x768xf32> -> vector<512x768xf32>
    %get3A_22 = arith.constant 0 : index
    %get3A_23 = arith.constant 0 : index
    %get3A_24 = vector.load %arg2[%get3A_22, %get3A_23] : memref<512x768xf32, #tpu.memory_space<vmem>>, vector<512x768xf32>
    %add3A = arith.addf %dot_general3A_21, %get3A_24 : vector<512x768xf32>
    %swap3A = arith.constant 0 : index
    %swap3A_25 = arith.constant 0 : index
    %swap3A_26 = vector.load %arg6[%swap3A, %swap3A_25] : memref<512x768xf32, #tpu.memory_space<vmem>>, vector<512x768xf32>
    tpu.vector_store %arg6[%swap3A, %swap3A_25], %add3A {strides = array<i32>} : memref<512x768xf32, #tpu.memory_space<vmem>>, vector<512x768xf32>,
    return
  }
  func.func @transform_0(%arg0: i32) -> (i32, i32) {
    %c0_i32 = arith.constant 0 : i32
    %c0_i32_0 = arith.constant 0 : i32
    return %arg0, %c0_i32 : i32, i32
  }
  func.func @transform_1(%arg0: i32) -> (i32, i32) {
    %c0_i32 = arith.constant 0 : i32
    %c0_i32_0 = arith.constant 0 : i32
    return %arg0, %c0_i32 : i32, i32
  }
  func.func @transform_2(%arg0: i32) -> (i32, i32) {
    %c0_i32 = arith.constant 0 : i32
    %c0_i32_0 = arith.constant 0 : i32
    %c0_i32_1 = arith.constant 0 : i32
    return %c0_i32, %c0_i32_0 : i32, i32
  }
  func.func @transform_3(%arg0: i32) -> (i32, i32) {
    %c0_i32 = arith.constant 0 : i32
    %c0_i32_0 = arith.constant 0 : i32
    %c0_i32_1 = arith.constant 0 : i32
    return %c0_i32, %c0_i32_0 : i32, i32
  }
  func.func @transform_4(%arg0: i32) -> (i32, i32) {
    %c0_i32 = arith.constant 0 : i32
    %c0_i32_0 = arith.constant 0 : i32
    %c0_i32_1 = arith.constant 0 : i32
    return %c0_i32, %c0_i32_0 : i32, i32
  }
  func.func @transform_5(%arg0: i32) -> (i32, i32) {
    %c0_i32 = arith.constant 0 : i32
    %c0_i32_0 = arith.constant 0 : i32
    return %arg0, %c0_i32 : i32, i32
  }
}

</mosaic_0001>

<sc_bundles>
// kernel: kernel.10.cloned.1.call-start
scs
__scs_entry_jumppad:
0x0: {  	(pc) =	sbr.rel $0x88, $3  }
0x1: {  	(tag) =	ssettag $0x0;
	lr =	simm.s32 $0x1  }
0x2: {  	[smem:$0x3F99] =	sst lr;
	_ =	strace $0xD0000000  }
0x3: {  	_ = 	snop  }
0x4: {  	_ = 	snop  }
0x5: {  	_ = 	snop  }
0x6: {  	_ = 	snop  }
0x7: {  	_ = 	snop  }
__scs_overlays_trampoline_lowered:
0x8: {  	[smem:$0x3FA8] =	sst s0  }
0x9: {  	[smem:$0x3FA9] =	sst s1  }
0xa: {  	[smem:$0x3FAA] =	sst s2  }
0xb: {  	[smem:$0x3FAB] =	sst s3  }
0xc: {  	[smem:$0x3FAC] =	sst s4  }
0xd: {  	[smem:$0x3FAD] =	sst s5  }
0xe: {  	[smem:$0x3FAE] =	sst s6  }
0xf: {  	[smem:$0x3FAF] =	sst s7  }
0x10: {  	[smem:$0x3FB0] =	sst s8  }
0x11: {  	[smem:$0x3FB1] =	sst s9;
	s0 =	simm.s32 @!p0 $0x0  }
0x12: {  	s1 =	sld [smem:$0x3F97];
	s0 =	simm.s32 @p0 $0x1  }
0x13: {  	[smem:$0x3FB2] =	sst s0;
	s0 =	simm.s32 @!p1 $0x0  }
0x14: {  	s2 =	sld [smem:$0x3F96];
	s0 =	simm.s32 @p1 $0x1  }
0x15: {  	[smem:$0x3FB3] =	sst s0;
	s0 =	simm.s32 @!p2 $0x0  }
0x16: {  	s3 =	sld [smem:$0x3FDB];
	s0 =	simm.s32 @p2 $0x1  }
0x17: {  	s4 =	simm.s32 $0x1BF5;
	[smem:$0x3FB5] =	sst s0  }
0x18: {  	s0 =	sld [smem:$0x3F98];
	_ =	swait.ge [sflag:s4], $0x0  }
0x19: {  	s7 =	sld [smem:$0x3F99]  }
0x1a: {  	s8 =	sadd.s32 $0xFFFFE003, lr  }
0x1b: {  	s9 =	sadd.s32 $0xFFFFFEF7, lr;
	s5 =	simm.s32 $0xFFFFFFFF;
	p2 =	slt.u32 s8, $0xFFFFF086  }
0x1c: {  	p1 =	slt.u32 s9, $0xF7A;
	s5 =	simm.s32 @!p2 $0x0  }
0x1d: {  	s5 =	simm.s32 @p1 $0x1;
	p0 =	seq.s32 s7, s2  }
0x1e: {  	s7 =	smul.u32 @!p0 $0xF7A, s2;
	p2 =	seq.s32 @!p0 s5, $0x0  }
0x1f: {  	s9 =	smul.u32 $0xF7A, s1;
	s8 =	simm.s32 @!p0 $0x1BF5;
	p2 =	por !p2, p0  }
0x20: {  	[sflag:s8] =	ssyncset.s32 @!p0 $0xFFFFF086;
	s6 =	sadd.s32 @!p0 s3, s7;
	s7 =	simm.s32 @!p0 $0x108  }
0x21: {  	s3 =	sadd.s32 s3, s9;
	s6 =	sadd.s32 @!p0 $0x88, s6;
	s7 =	simm.s32 @p2 $0x1082  }
0x22: {  	[simem:s7], [sflag:s8] =	dma.local @!p0 [hbm:s6], $0xF7A  }
0x23: {  	s9 =	sor.u32 $0xD0000000, s2;
	s6 =	simm.s32 $0x108;
	_ =	swait.ge @!p0 [sflag:s8], $0x0  }
0x24: {  	s3 =	sadd.s32 $0x88, s3;
	s6 =	simm.s32 @!p1 $0x1082;
	[sflag:s4] =	ssyncset.s32 $0xFFFFF086  }
0x25: {  	[simem:s6], [sflag:s4] =	dma.local [hbm:s3], $0xF7A  }
0x26: {  	[smem:$0x3F99] =	sst s1;
	(tag) =	ssettag s2;
	_ =	strace s9  }
0x27: {  	s1 =	sld [smem:$0x3FA9]  }
0x28: {  	s2 =	sld [smem:$0x3FAA]  }
0x29: {  	s4 =	sld [smem:$0x3FAC]  }
0x2a: {  	p0 =	seq.s32 s5, $0x0;
	s5 =	sld [smem:$0x3FAD]  }
0x2b: {  	s6 =	sld [smem:$0x3FAE]  }
0x2c: {  	s7 =	sld [smem:$0x3FAF]  }
0x2d: {  	s3 =	simm.s32 $0x108;
	s8 =	sld [smem:$0x3FB0]  }
0x2e: {  	s3 =	simm.s32 @!p0 $0x1082;
	s9 =	sld [smem:$0x3FB1]  }
0x2f: {  	lr =	sadd.s32 s0, s3;
	s0 =	sld [smem:$0x3FA8]  }
0x30: {  	s3 =	sld [smem:$0x3FAB]  }
0x31: {  	[smem:$0x3FB4] =	sst s10  }
0x32: {  	s10 =	sld [smem:$0x3FB2];
	_ =	sdelay $0x3  }
0x33: {  	p0 =	seq.s32 s10, $0x1;
	s10 =	sld [smem:$0x3FB4];
	_ =	sdelay $0x3  }
0x34: {  	[smem:$0x3FB4] =	sst s10  }
0x35: {  	s10 =	sld [smem:$0x3FB3];
	_ =	sdelay $0x3  }
0x36: {  	p1 =	seq.s32 s10, $0x1;
	s10 =	sld [smem:$0x3FB4];
	_ =	sdelay $0x3  }
0x37: {  	[smem:$0x3FB4] =	sst s10  }
0x38: {  	s10 =	sld [smem:$0x3FB5]  }
0x39: {  	_ = 	snop;
	(pc) =	sbr.ind lr, $3  }
0x3a: {  	_ = 	snop  }
0x3b: {  	_ = 	snop  }
0x3c: {  	p2 =	seq.s32 s10, $0x1;
	s10 =	sld [smem:$0x3FB4]  }
0x3d: {  	_ =	shalt  }
0x3e: {  	_ =	shalt  }
0x3f: {  	_ =	shalt  }
0x40: {  	_ =	shalt  }
0x41: {  	_ =	shalt  }
0x42: {  	_ =	shalt  }
0x43: {  	_ =	shalt  }
0x44: {  	_ =	shalt  }
0x45: {  	_ =	shalt  }
0x46: {  	_ =	shalt  }
0x47: {  	_ =	shalt  }
0x48: {  	_ =	shalt  }
0x49: {  	_ =	shalt  }
0x4a: {  	_ =	shalt  }
0x4b: {  	_ =	shalt  }
0x4c: {  	_ =	shalt  }
0x4d: {  	_ =	shalt  }
0x4e: {  	_ =	shalt  }
0x4f: {  	_ =	shalt  }
0x50: {  	_ =	shalt  }
0x51: {  	_ =	shalt  }
0x52: {  	_ =	shalt  }
0x53: {  	_ =	shalt  }
0x54: {  	_ =	shalt  }
0x55: {  	_ =	shalt  }
0x56: {  	_ =	shalt  }
0x57: {  	_ =	shalt  }
0x58: {  	_ =	shalt  }
0x59: {  	_ =	shalt  }
0x5a: {  	_ =	shalt  }
0x5b: {  	_ =	shalt  }
0x5c: {  	_ =	shalt  }
0x5d: {  	_ =	shalt  }
0x5e: {  	_ =	shalt  }
0x5f: {  	_ =	shalt  }
0x60: {  	_ =	shalt  }
0x61: {  	_ =	shalt  }
0x62: {  	_ =	shalt  }
0x63: {  	_ =	shalt  }
0x64: {  	_ =	shalt  }
0x65: {  	_ =	shalt  }
0x66: {  	_ =	shalt  }
0x67: {  	_ =	shalt  }
0x68: {  	_ =	shalt  }
0x69: {  	_ =	shalt  }
0x6a: {  	_ =	shalt  }
0x6b: {  	_ =	shalt  }
0x6c: {  	_ =	shalt  }
0x6d: {  	_ =	shalt  }
0x6e: {  	_ =	shalt  }
0x6f: {  	_ =	shalt  }
0x70: {  	_ =	shalt  }
0x71: {  	_ =	shalt  }
0x72: {  	_ =	shalt  }
0x73: {  	_ =	shalt  }
0x74: {  	_ =	shalt  }
0x75: {  	_ =	shalt  }
0x76: {  	_ =	shalt  }
0x77: {  	_ =	shalt  }
0x78: {  	_ =	shalt  }
0x79: {  	_ =	shalt  }
0x7a: {  	_ =	shalt  }
0x7b: {  	_ =	shalt  }
0x7c: {  	_ =	shalt  }
0x7d: {  	_ =	shalt  }
0x7e: {  	_ =	shalt  }
0x7f: {  	_ =	shalt  }
0x80: {  	_ =	shalt  }
0x81: {  	_ =	shalt  }
0x82: {  	_ =	shalt  }
0x83: {  	_ =	shalt  }
0x84: {  	_ =	shalt  }
0x85: {  	_ =	shalt  }
0x86: {  	_ =	shalt  }
0x87: {  	_ =	shalt  }
.Lfunc_end0:
.L_simem_size_0:
called_computation.1_lowered:
.L_overlay_start_0:
0x88: {  	s2 =	sld [smem:$0x3FD9]  }
0x89: {  	s3 =	sld [smem:$0x3FFE];
	_ =	sdelay $0x1  }
0x8a: {  	s1 =	srdreg.scid  }
0x8b: {  	s0 =	sand.u32 $0x1, s1  }
0x8c: {  	s14 =	sshll.u32 s0, $0xA;
	s2 =	sadd.s32 s3, s2  }
0x8d: {  	s2 =	sadd.s32 s2, s14  }
0x8e: {  	[smem:$0x3FC0] =	sst s2  }
0x8f: {  	_ = 	snop  }
0x90: {  	s2 =	sld [smem:$0x3FD0];
	_ =	sdelay $0x2  }
0x91: {  	s15 =	simm.s32 $0xA;
	s4 =	simm.s32 $0x10  }
0x92: {  	[smem:s4], [sflag:s15] =	dma.local [hbm:s2], $0x1  }
0x93: {  	_ =	swait.eq [sflag:s15], $0x1  }
0x94: {  	[sflag:s15] =	ssyncset.done $0x0  }
0x95: {  	[sflag:s15] =	ssyncadd.s32 $0xFFFFFFFF  }
0x96: {  	s16 =	sld [smem:$0x10];
	(tm) =	ssettm $0x1  }
0x97: {  	s17 =	sld [smem:$0x3FFB];
	_ =	sdelay $0x3  }
0x98: {  	_ =	strace s17  }
0x99: {  	s3 =	sld [smem:$0x3FFC];
	_ =	sdelay $0x3  }
0x9a: {  	_ =	strace s3  }
0x9b: {  	s3 =	sld [smem:$0x3FFD];
	_ =	sdelay $0x3  }
0x9c: {  	_ =	strace s3  }
0x9d: {  	_ =	strace $0x8FFFFFFF  }
0x9e: {  	s18 =	sld [smem:$0x3FDB];
	_ =	sdelay $0x1  }
0x9f: {  	s19 =	simm.s32 $_scs_section_size  }
0xa0: {  	s5 =	simm.s32 $_size__tile_overlayer_lowered;
	s6 =	simm.s32 $_tile_overlayer_lowered  }
0xa1: {  	s22 =	simm.s32 $0x1BFF;
	s21 =	sshll.u32 s6, $0x1;
	s3 =	sadd.s32 s19, s18  }
0xa2: {  	s7 =	simm.s32 $0x0;
	s20 =	sshll.u32 s5, $0x1;
	s5 =	sadd.s32 s21, s3  }
0xa3: {  	[timem:s7], [sflag:s22] =	dma.local [hbm:s5], s20  }
0xa4: {  	_ =	swait.ge [sflag:s22], s20  }
0xa5: {  	s4 =	ssub.s32 $0x0, s20;
	[sflag:s22] =	ssyncset.done $0x0  }
0xa6: {  	[sflag:s22] =	ssyncadd.s32 s4;
	_ =	sdelay $0x1  }
0xa7: {  	s23 =	simm.s32 $0x1B8B  }
0xa8: {  	_ =	swait.ge [sflag:s23], $0x1  }
0xa9: {  	[sflag:s23] =	ssyncset.done $0x0  }
0xaa: {  	s25 =	simm.s32 $0x1B8E;
	s24 =	sld [smem:$0x3FFE];
	[sflag:s23] =	ssyncadd.s32 $0xFFFFFFFF  }
0xab: {  	s26 =	simm.s32 $execute0_lowered;
	[smem:$0x3FD2] =	sst s25  }
0xac: {  	s5 =	sshll.u32 s26, $0x1;
	_ =	strace $0x80000049;
	[dreg:$0x1] =	wrdreg $0xFFFFFFFF  }
0xad: {  	s28 =	simm.s32 $_size_execute0_lowered;
	s3 =	sadd.s32 s3, s5;
	[dreg:$0x0] =	wrdreg $0x0  }
0xae: {  	s5 =	sshll.u32 s28, $0x1;
	[dreg:$0x2] =	wrdreg s3  }
0xaf: {  	[dreg:$0x3] =	wrdreg s5  }
0xb0: {  	[dreg:$0x4] =	wrdreg $0xC0  }
0xb1: {  	_ =	task [dreg:s7], $0x5FFFF  }
0xb2: {  	[dreg:$0x1] =	wrdreg $0xFFFFFFFF  }
0xb3: {  	[dreg:$0x0] =	wrdreg $0x60  }
0xb4: {  	[dreg:$0x2] =	wrdreg s24  }
0xb5: {  	[dreg:$0x3] =	wrdreg s16  }
0xb6: {  	[dreg:$0x4] =	wrdreg $0x9  }
0xb7: {  	_ =	task.clear_ibuf [dreg:s7], $0x5FFFF;
	_ =	strace $0x90000049  }
0xb8: {  	s29 =	simm.s32 $0x9;
	_ =	strace $0x8000004B  }
0xb9: {  	_ =	swait.ge [sflag:s29], $0x1  }
0xba: {  	[sflag:s29] =	ssyncadd.s32 $0xFFFFFFFF  }
0xbb: {  	_ =	strace $0x9000004B  }
0xbc: {  	_ =	sfence  }
0xbd: {  	s30 =	sld [smem:$0x0];
	_ =	sdelay $0x2  }
0xbe: {  	s31 =	sshll.u32 s1, $0xD;
	s1 =	sshrl.u32 s1, $0x2  }
0xbf: {  	s3 =	sand.u32 $0x4000, s31;
	s1 =	sadd.s32 s1, s30  }
0xc0: {  	s0 =	sor.u32 s3, s0;
	s1 =	sshll.u32 s1, $0x11  }
0xc1: {  	s0 =	sor.u32 s1, s0  }
0xc2: {  	s0 =	sadd.s32 $0x8F2B, s0  }
0xc3: {  	[sflag:s0] =	ssyncadd.remote.s32 $0x1  }
0xc4: {  	_ =	sfence.sel $0xFFFF  }
0xc5: {  	[dreg:$0x0] =	wrdreg $0xFFFFFFFF;
	(pc) =	sbr.abs _section_cstart, $3  }
0xc6: {  	[dreg:$0x1] =	wrdreg $0xFFFFFFFF  }
0xc7: {  	_ =	task.clear_ibuf [dreg:s7], $0x2FFFF;
	_ =	strace $0x9FFFFFFF  }
0xc8: {  	(tm) =	ssettm $0x7FFFFFFF  }
0xc9: {  	_ =	shalt  }
tec
execute0_lowered:
.L_overlay_start_1:
0x0: {  	(tag) =	ssettag $0x1  }
0x1: {  	s0 =	rddreg [dreg:$0x0]  }
0x2: {  	s5 =	rddreg [dreg:$0x1];
	s3 =	srdreg.scid  }
0x3: {  	s2 =	simm.s32 $0x0;
	s1 =	stileid.u32;
	s26 =	simm.s32 $0x880  }
0x4: {  	s10 =	simm.s32 $0x1880;
	s11 =	simm.s32 $0x2080;
	s12 =	simm.s32 $0x2880  }
0x5: {  	s13 =	simm.s32 $0x3080;
	s14 =	simm.s32 $0x3880;
	s15 =	simm.s32 $0x4080  }
0x6: {  	s16 =	simm.s32 $0x4880;
	s17 =	simm.s32 $0x5080;
	s18 =	simm.s32 $0x5880  }
0x7: {  	s19 =	simm.s32 $0x6080;
	s20 =	simm.s32 $0x6880;
	s21 =	simm.s32 $0x7080  }
0x8: {  	s22 =	simm.s32 $0x7880;
	s28 =	simm.s32 $0xA080;
	s29 =	simm.s32 $0xA880  }
0x9: {  	s30 =	simm.s32 $0xB080;
	s31 =	simm.s32 $0xB880;
	s3 =	sand.u32 $0x1, s3  }
0xa: {  	[smem:$0x7FF] =	sst s2;
	s4 =	sshll.u32 s1, $0x4;
	s6 =	sshll.u32 s3, $0x3  }
0xb: {  	_ =	strace $0x8000004A;
	s23 =	ssub.s32 $0x2, s3;
	s3 =	sadd.s32 $0x1800, s0  }
0xc: {  	[dreg:$0x5] =	wrdreg s26;
	s26 =	simm.s32 $0x9880;
	s4 =	sor.u32 s6, s4  }
0xd: {  	s8 =	sshrl.u32 s23, $0x1;
	s7 =	sadd.s32 s4, s0;
	s9 =	smul.u32 $0x300, s4  }
0xe: {  	s6 =	ssub.s32 s23, s8;
	s4 =	sadd.s32 $0x1900, s0;
	s8 =	simm.s32 $0x80  }
0xf: {  	s23 =	simm.s32 $0x8080;
	s24 =	sadd.s32 $0x1600, s7;
	s6 =	smax.u32 s6, $0x1  }
0x10: {  	v2 =	vlaneseq.u32;
	s7 =	simm.s32 $0x2;
	[dreg:$0x3] =	wrdreg s24;
	s25 =	sadd.s32 s5, s9  }
0x11: {  	vm0 =	vmmov $0xffff;
	v1 =	vshrl.u32 v2, $0x3;
	s5 =	sadd.s32 $0x1A00, s0;
	s9 =	simm.s32 $0x1080;
	s24 =	simm.s32 $0x8880  }
0x12: {  	v0 =	vand.u32 $0x7, v2;
	v2 =	vor.u32 $0x8, v2;
	v1 =	vmul.u32 $0x8, v1;
	s0 =	simm.s32 $0x1;
	[dreg:$0x4] =	wrdreg s25;
	s25 =	simm.s32 $0x9080  }
.LBB2_1:
0x13: {  	s1 =	rddreg [dreg:$0x3]  }
0x14: {  	[tilespmem:s2], [sflag:$0x2] =	stream.linear.gather [hbm4b:s1+s2], $0x40, $0x38;
	[tilespmem:$0xC080] =	vst v63  }
0x15: {  	_ =	swait.ge [sflag:s7], $0x40  }
0x16: {  	[sflag:s7] =	ssyncset.done $0x0  }
0x17: {  	[sflag:s7] =	ssyncadd.s32 $0xFFFFFFC0  }
0x18: {  	v3 =	vld [tilespmem:$0x0];
	_ =	sdelay $0x4  }
0x19: {  	v4 =	vshrl.u32 v3, $0x3  }
0x1a: {  	v4 =	vmul.u32 $0x30, v4  }
0x1b: {  	v3 =	vand.u32 $0x7, v3  }
0x1c: {  	v3 =	vor.u32 v3, v4  }
0x1d: {  	v4 =	vperm.xlane v3, v0;
	_ =	sdelay $0x1  }
0x1e: {  	v4 =	vadd.s32 v1, v4;
	_ =	sdelay $0x3  }
0x1f: {  	v3 =	vperm.xlane v3, v2  }
0x20: {  	[tilespmem:s8], [sflag:$0x1] =	stream.indirect_vreg.gather [hbm4b:s3+s2], $0x80, v4, vm0, $0xb8;
	[tilespmem:$0xC080] =	vst v63  }
0x21: {  	s1 =	rddreg [dreg:$0x5];
	v3 =	vadd.s32 v1, v3  }
0x22: {  	[tilespmem:s1], [sflag:$0x1] =	stream.indirect_vreg.gather [hbm4b:s4+s2], $0x80, v4, vm0, $0xb8;
	[tilespmem:$0xC080] =	vst v63  }
0x23: {  	_ = 	snop  }
0x24: {  	[tilespmem:s9], [sflag:$0x1] =	stream.indirect_vreg.gather [hbm4b:s5+s2], $0x80, v4, vm0, $0xb8;
	[tilespmem:$0xC080] =	vst v63  }
0x25: {  	_ = 	snop  }
0x26: {  	[tilespmem:s10], [sflag:$0x1] =	stream.indirect_vreg.gather [hbm4b:s3+s2], $0x80, v3, vm0, $0xb8;
	[tilespmem:$0xC080] =	vst v63  }
0x27: {  	_ = 	snop  }
0x28: {  	[tilespmem:s11], [sflag:$0x1] =	stream.indirect_vreg.gather [hbm4b:s4+s2], $0x80, v3, vm0, $0xb8;
	[tilespmem:$0xC080] =	vst v63  }
0x29: {  	_ = 	snop  }
0x2a: {  	[tilespmem:s12], [sflag:$0x1] =	stream.indirect_vreg.gather [hbm4b:s5+s2], $0x80, v3, vm0, $0xb8;
	[tilespmem:$0xC080] =	vst v63  }
0x2b: {  	v3 =	vld [tilespmem:$0x10];
	_ =	sdelay $0x4  }
0x2c: {  	v61 =	vshrl.u32 v3, $0x3  }
0x2d: {  	v4 =	vmul.u32 $0x30, v61  }
0x2e: {  	v3 =	vand.u32 $0x7, v3  }
0x2f: {  	v3 =	vor.u32 v3, v4  }
0x30: {  	v4 =	vperm.xlane v3, v0;
	_ =	sdelay $0x1  }
0x31: {  	v4 =	vadd.s32 v1, v4;
	_ =	sdelay $0x3  }
0x32: {  	v3 =	vperm.xlane v3, v2  }
0x33: {  	[tilespmem:s13], [sflag:$0x1] =	stream.indirect_vreg.gather [hbm4b:s3+s2], $0x80, v4, vm0, $0xb8;
	[tilespmem:$0xC080] =	vst v63  }
0x34: {  	v3 =	vadd.s32 v1, v3  }
0x35: {  	[tilespmem:s14], [sflag:$0x1] =	stream.indirect_vreg.gather [hbm4b:s4+s2], $0x80, v4, vm0, $0xb8;
	[tilespmem:$0xC080] =	vst v63  }
0x36: {  	_ = 	snop  }
0x37: {  	[tilespmem:s15], [sflag:$0x1] =	stream.indirect_vreg.gather [hbm4b:s5+s2], $0x80, v4, vm0, $0xb8;
	[tilespmem:$0xC080] =	vst v63  }
0x38: {  	_ = 	snop  }
0x39: {  	[tilespmem:s16], [sflag:$0x1] =	stream.indirect_vreg.gather [hbm4b:s3+s2], $0x80, v3, vm0, $0xb8;
	[tilespmem:$0xC080] =	vst v63  }
0x3a: {  	_ = 	snop  }
0x3b: {  	[tilespmem:s17], [sflag:$0x1] =	stream.indirect_vreg.gather [hbm4b:s4+s2], $0x80, v3, vm0, $0xb8;
	[tilespmem:$0xC080] =	vst v63  }
0x3c: {  	_ = 	snop  }
0x3d: {  	[tilespmem:s18], [sflag:$0x1] =	stream.indirect_vreg.gather [hbm4b:s5+s2], $0x80, v3, vm0, $0xb8;
	[tilespmem:$0xC080] =	vst v63  }
0x3e: {  	v3 =	vld [tilespmem:$0x20];
	_ =	sdelay $0x4  }
0x3f: {  	v62 =	vshrl.u32 v3, $0x3  }
0x40: {  	v4 =	vmul.u32 $0x30, v62  }
0x41: {  	v3 =	vand.u32 $0x7, v3  }
0x42: {  	v3 =	vor.u32 v3, v4  }
0x43: {  	v4 =	vperm.xlane v3, v0;
	_ =	sdelay $0x1  }
0x44: {  	v4 =	vadd.s32 v1, v4;
	_ =	sdelay $0x3  }
0x45: {  	v3 =	vperm.xlane v3, v2  }
0x46: {  	[tilespmem:s19], [sflag:$0x1] =	stream.indirect_vreg.gather [hbm4b:s3+s2], $0x80, v4, vm0, $0xb8;
	[tilespmem:$0xC080] =	vst v63  }
0x47: {  	v3 =	vadd.s32 v1, v3  }
0x48: {  	[tilespmem:s20], [sflag:$0x1] =	stream.indirect_vreg.gather [hbm4b:s4+s2], $0x80, v4, vm0, $0xb8;
	[tilespmem:$0xC080] =	vst v63  }
0x49: {  	_ = 	snop  }
0x4a: {  	[tilespmem:s21], [sflag:$0x1] =	stream.indirect_vreg.gather [hbm4b:s5+s2], $0x80, v4, vm0, $0xb8;
	[tilespmem:$0xC080] =	vst v63  }
0x4b: {  	_ = 	snop  }
0x4c: {  	[tilespmem:s22], [sflag:$0x1] =	stream.indirect_vreg.gather [hbm4b:s3+s2], $0x80, v3, vm0, $0xb8;
	[tilespmem:$0xC080] =	vst v63  }
0x4d: {  	_ = 	snop  }
0x4e: {  	[tilespmem:s23], [sflag:$0x1] =	stream.indirect_vreg.gather [hbm4b:s4+s2], $0x80, v3, vm0, $0xb8;
	[tilespmem:$0xC080] =	vst v63  }
0x4f: {  	_ = 	snop  }
0x50: {  	[tilespmem:s24], [sflag:$0x1] =	stream.indirect_vreg.gather [hbm4b:s5+s2], $0x80, v3, vm0, $0xb8;
	[tilespmem:$0xC080] =	vst v63  }
0x51: {  	v3 =	vld [tilespmem:$0x30];
	_ =	sdelay $0x4  }
0x52: {  	v63 =	vshrl.u32 v3, $0x3  }
0x53: {  	v4 =	vmul.u32 $0x30, v63  }
0x54: {  	v3 =	vand.u32 $0x7, v3  }
0x55: {  	v3 =	vor.u32 v3, v4  }
0x56: {  	v4 =	vperm.xlane v3, v0;
	_ =	sdelay $0x1  }
0x57: {  	v4 =	vadd.s32 v1, v4;
	_ =	sdelay $0x3  }
0x58: {  	v3 =	vperm.xlane v3, v2  }
0x59: {  	[tilespmem:s25], [sflag:$0x1] =	stream.indirect_vreg.gather [hbm4b:s3+s2], $0x80, v4, vm0, $0xb8;
	[tilespmem:$0xC080] =	vst v63  }
0x5a: {  	v3 =	vadd.s32 v1, v3  }
0x5b: {  	[tilespmem:s26], [sflag:$0x1] =	stream.indirect_vreg.gather [hbm4b:s4+s2], $0x80, v4, vm0, $0xb8;
	[tilespmem:$0xC080] =	vst v63  }
0x5c: {  	_ = 	snop  }
0x5d: {  	[tilespmem:s28], [sflag:$0x1] =	stream.indirect_vreg.gather [hbm4b:s5+s2], $0x80, v4, vm0, $0xb8;
	[tilespmem:$0xC080] =	vst v63  }
0x5e: {  	_ = 	snop  }
0x5f: {  	[tilespmem:s29], [sflag:$0x1] =	stream.indirect_vreg.gather [hbm4b:s3+s2], $0x80, v3, vm0, $0xb8;
	[tilespmem:$0xC080] =	vst v63  }
0x60: {  	_ = 	snop  }
0x61: {  	[tilespmem:s30], [sflag:$0x1] =	stream.indirect_vreg.gather [hbm4b:s4+s2], $0x80, v3, vm0, $0xb8;
	[tilespmem:$0xC080] =	vst v63  }
0x62: {  	_ = 	snop  }
0x63: {  	[tilespmem:s31], [sflag:$0x1] =	stream.indirect_vreg.gather [hbm4b:s5+s2], $0x80, v3, vm0, $0xb8;
	[tilespmem:$0xC080] =	vst v63  }
0x64: {  	_ =	swait.ge [sflag:s0], $0xC000  }
0x65: {  	p0 =	sne.s32 s6, $0x1;
	[sflag:s0] =	ssyncset.done $0x0  }
.Ltmp0:
0x66: {  	s1 =	rddreg [dreg:$0x4];
	[sflag:s0] =	ssyncadd.s32 $0xFFFF4000;
	(pc) =	sbr.rel @p0 .LBB2_1-.Ltmp0, $4  }
0x67: {  	[hbm4b:s1+s2] =	stream.linear.scatter [tilespmem:s8], [sflag:$0x2], $0xC000, $0x38;
	[tilespmem:$0xC080] =	vst v63  }
0x68: {  	_ =	swait.ge [sflag:s7], $0xC000  }
0x69: {  	[sflag:s7] =	ssyncset.done $0x0  }
0x6a: {  	s6 =	sadd.s32 $0xFFFFFFFF, s6;
	[sflag:s7] =	ssyncadd.s32 $0xFFFF4000  }
0x6b: {  	_ =	sfence.sel $0x180000  }
0x6c: {  	[bflag:$0x0] =	sbarrier.arrive $0xFFFF  }
0x6d: {  	_ =	strace $0x9000004A  }
0x6e: {  	s0 =	stileid.u32;
	[bflag:$0x2] =	sbarrier.arrive $0xFFFF  }
0x6f: {  	p0 =	sne.s32 s0, $0x0;
	s0 =	rddreg [dreg:$0x2]  }
0x70: {  	s0 =	sadd.s32 @!p0 $0x100000, s0  }
0x71: {  	[sflag:s0] =	ssyncadd.tile.s32 @!p0 $0x1;
	_ =	shalt  }
.Lfunc_end2:
_tile_overlayer_lowered:
.L_overlay_start_2:
0x72: {  	(tag) =	ssettag $0x2  }
0x73: {  	s0 =	rddreg [dreg:$0x0];
	s2 =	stileid.u32  }
0x74: {  	s1 =	rddreg [dreg:$0x1];
	p0 =	sne.s32 s2, $0x0  }
0x75: {  	s3 =	rddreg [dreg:$0x2];
	[bflag:$0x3] =	sbarrier.arrive $0xFFFF;
	s2 =	simm.s32 @!p0 $0x1C02  }
0x76: {  	[timem:s3], [sflag:s2] =	dma.local @!p0 [hbm:s0], s1  }
0x77: {  	s0 =	simm.s32 @!p0 $0x2  }
0x78: {  	_ =	swait.ge @!p0 [sflag:s0], s1  }
0x79: {  	s1 =	ssub.s32 @!p0 $0x0, s1;
	[sflag:s0] =	ssyncset.done @!p0 $0x0  }
0x7a: {  	[sflag:s0] =	ssyncadd.s32 @!p0 s1  }
0x7b: {  	[bflag:$0x3] =	sbarrier.arrive $0xFFFF  }
0x7c: {  	_ =	shalt  }

// kernel: kernel.7.cloned.1.call-start
scs
__scs_entry_jumppad:
0x0: {  	(pc) =	sbr.rel $0x88, $3  }
0x1: {  	(tag) =	ssettag $0x0;
	lr =	simm.s32 $0x1  }
0x2: {  	[smem:$0x3F99] =	sst lr;
	_ =	strace $0xD0000000  }
0x3: {  	_ = 	snop  }
0x4: {  	_ = 	snop  }
0x5: {  	_ = 	snop  }
0x6: {  	_ = 	snop  }
0x7: {  	_ = 	snop  }
__scs_overlays_trampoline_lowered:
0x8: {  	[smem:$0x3FA8] =	sst s0  }
0x9: {  	[smem:$0x3FA9] =	sst s1  }
0xa: {  	[smem:$0x3FAA] =	sst s2  }
0xb: {  	[smem:$0x3FAB] =	sst s3  }
0xc: {  	[smem:$0x3FAC] =	sst s4  }
0xd: {  	[smem:$0x3FAD] =	sst s5  }
0xe: {  	[smem:$0x3FAE] =	sst s6  }
0xf: {  	[smem:$0x3FAF] =	sst s7  }
0x10: {  	[smem:$0x3FB0] =	sst s8  }
0x11: {  	[smem:$0x3FB1] =	sst s9;
	s0 =	simm.s32 @!p0 $0x0  }
0x12: {  	s1 =	sld [smem:$0x3F97];
	s0 =	simm.s32 @p0 $0x1  }
0x13: {  	[smem:$0x3FB2] =	sst s0;
	s0 =	simm.s32 @!p1 $0x0  }
0x14: {  	s2 =	sld [smem:$0x3F96];
	s0 =	simm.s32 @p1 $0x1  }
0x15: {  	[smem:$0x3FB3] =	sst s0;
	s0 =	simm.s32 @!p2 $0x0  }
0x16: {  	s3 =	sld [smem:$0x3FDB];
	s0 =	simm.s32 @p2 $0x1  }
0x17: {  	s4 =	simm.s32 $0x1BF5;
	[smem:$0x3FB5] =	sst s0  }
0x18: {  	s0 =	sld [smem:$0x3F98];
	_ =	swait.ge [sflag:s4], $0x0  }
0x19: {  	s7 =	sld [smem:$0x3F99]  }
0x1a: {  	s8 =	sadd.s32 $0xFFFFE003, lr  }
0x1b: {  	s9 =	sadd.s32 $0xFFFFFEF7, lr;
	s5 =	simm.s32 $0xFFFFFFFF;
	p2 =	slt.u32 s8, $0xFFFFF086  }
0x1c: {  	p1 =	slt.u32 s9, $0xF7A;
	s5 =	simm.s32 @!p2 $0x0  }
0x1d: {  	s5 =	simm.s32 @p1 $0x1;
	p0 =	seq.s32 s7, s2  }
0x1e: {  	s7 =	smul.u32 @!p0 $0xF7A, s2;
	p2 =	seq.s32 @!p0 s5, $0x0  }
0x1f: {  	s9 =	smul.u32 $0xF7A, s1;
	s8 =	simm.s32 @!p0 $0x1BF5;
	p2 =	por !p2, p0  }
0x20: {  	[sflag:s8] =	ssyncset.s32 @!p0 $0xFFFFF086;
	s6 =	sadd.s32 @!p0 s3, s7;
	s7 =	simm.s32 @!p0 $0x108  }
0x21: {  	s3 =	sadd.s32 s3, s9;
	s6 =	sadd.s32 @!p0 $0x88, s6;
	s7 =	simm.s32 @p2 $0x1082  }
0x22: {  	[simem:s7], [sflag:s8] =	dma.local @!p0 [hbm:s6], $0xF7A  }
0x23: {  	s9 =	sor.u32 $0xD0000000, s2;
	s6 =	simm.s32 $0x108;
	_ =	swait.ge @!p0 [sflag:s8], $0x0  }
0x24: {  	s3 =	sadd.s32 $0x88, s3;
	s6 =	simm.s32 @!p1 $0x1082;
	[sflag:s4] =	ssyncset.s32 $0xFFFFF086  }
0x25: {  	[simem:s6], [sflag:s4] =	dma.local [hbm:s3], $0xF7A  }
0x26: {  	[smem:$0x3F99] =	sst s1;
	(tag) =	ssettag s2;
	_ =	strace s9  }
0x27: {  	s1 =	sld [smem:$0x3FA9]  }
0x28: {  	s2 =	sld [smem:$0x3FAA]  }
0x29: {  	s4 =	sld [smem:$0x3FAC]  }
0x2a: {  	p0 =	seq.s32 s5, $0x0;
	s5 =	sld [smem:$0x3FAD]  }
0x2b: {  	s6 =	sld [smem:$0x3FAE]  }
0x2c: {  	s7 =	sld [smem:$0x3FAF]  }
0x2d: {  	s3 =	simm.s32 $0x108;
	s8 =	sld [smem:$0x3FB0]  }
0x2e: {  	s3 =	simm.s32 @!p0 $0x1082;
	s9 =	sld [smem:$0x3FB1]  }
0x2f: {  	lr =	sadd.s32 s0, s3;
	s0 =	sld [smem:$0x3FA8]  }
0x30: {  	s3 =	sld [smem:$0x3FAB]  }
0x31: {  	[smem:$0x3FB4] =	sst s10  }
0x32: {  	s10 =	sld [smem:$0x3FB2];
	_ =	sdelay $0x3  }
0x33: {  	p0 =	seq.s32 s10, $0x1;
	s10 =	sld [smem:$0x3FB4];
	_ =	sdelay $0x3  }
0x34: {  	[smem:$0x3FB4] =	sst s10  }
0x35: {  	s10 =	sld [smem:$0x3FB3];
	_ =	sdelay $0x3  }
0x36: {  	p1 =	seq.s32 s10, $0x1;
	s10 =	sld [smem:$0x3FB4];
	_ =	sdelay $0x3  }
0x37: {  	[smem:$0x3FB4] =	sst s10  }
0x38: {  	s10 =	sld [smem:$0x3FB5]  }
0x39: {  	_ = 	snop;
	(pc) =	sbr.ind lr, $3  }
0x3a: {  	_ = 	snop  }
0x3b: {  	_ = 	snop  }
0x3c: {  	p2 =	seq.s32 s10, $0x1;
	s10 =	sld [smem:$0x3FB4]  }
0x3d: {  	_ =	shalt  }
0x3e: {  	_ =	shalt  }
0x3f: {  	_ =	shalt  }
0x40: {  	_ =	shalt  }
0x41: {  	_ =	shalt  }
0x42: {  	_ =	shalt  }
0x43: {  	_ =	shalt  }
0x44: {  	_ =	shalt  }
0x45: {  	_ =	shalt  }
0x46: {  	_ =	shalt  }
0x47: {  	_ =	shalt  }
0x48: {  	_ =	shalt  }
0x49: {  	_ =	shalt  }
0x4a: {  	_ =	shalt  }
0x4b: {  	_ =	shalt  }
0x4c: {  	_ =	shalt  }
0x4d: {  	_ =	shalt  }
0x4e: {  	_ =	shalt  }
0x4f: {  	_ =	shalt  }
0x50: {  	_ =	shalt  }
0x51: {  	_ =	shalt  }
0x52: {  	_ =	shalt  }
0x53: {  	_ =	shalt  }
0x54: {  	_ =	shalt  }
0x55: {  	_ =	shalt  }
0x56: {  	_ =	shalt  }
0x57: {  	_ =	shalt  }
0x58: {  	_ =	shalt  }
0x59: {  	_ =	shalt  }
0x5a: {  	_ =	shalt  }
0x5b: {  	_ =	shalt  }
0x5c: {  	_ =	shalt  }
0x5d: {  	_ =	shalt  }
0x5e: {  	_ =	shalt  }
0x5f: {  	_ =	shalt  }
0x60: {  	_ =	shalt  }
0x61: {  	_ =	shalt  }
0x62: {  	_ =	shalt  }
0x63: {  	_ =	shalt  }
0x64: {  	_ =	shalt  }
0x65: {  	_ =	shalt  }
0x66: {  	_ =	shalt  }
0x67: {  	_ =	shalt  }
0x68: {  	_ =	shalt  }
0x69: {  	_ =	shalt  }
0x6a: {  	_ =	shalt  }
0x6b: {  	_ =	shalt  }
0x6c: {  	_ =	shalt  }
0x6d: {  	_ =	shalt  }
0x6e: {  	_ =	shalt  }
0x6f: {  	_ =	shalt  }
0x70: {  	_ =	shalt  }
0x71: {  	_ =	shalt  }
0x72: {  	_ =	shalt  }
0x73: {  	_ =	shalt  }
0x74: {  	_ =	shalt  }
0x75: {  	_ =	shalt  }
0x76: {  	_ =	shalt  }
0x77: {  	_ =	shalt  }
0x78: {  	_ =	shalt  }
0x79: {  	_ =	shalt  }
0x7a: {  	_ =	shalt  }
0x7b: {  	_ =	shalt  }
0x7c: {  	_ =	shalt  }
0x7d: {  	_ =	shalt  }
0x7e: {  	_ =	shalt  }
0x7f: {  	_ =	shalt  }
0x80: {  	_ =	shalt  }
0x81: {  	_ =	shalt  }
0x82: {  	_ =	shalt  }
0x83: {  	_ =	shalt  }
0x84: {  	_ =	shalt  }
0x85: {  	_ =	shalt  }
0x86: {  	_ =	shalt  }
0x87: {  	_ =	shalt  }
.Lfunc_end0:
.L_simem_size_0:
called_computation_lowered:
.L_overlay_start_0:
0x88: {  	s2 =	sld [smem:$0x3FD9]  }
0x89: {  	s3 =	sld [smem:$0x3FFE];
	_ =	sdelay $0x1  }
0x8a: {  	s1 =	srdreg.scid  }
0x8b: {  	s0 =	sand.u32 $0x1, s1  }
0x8c: {  	s17 =	sshll.u32 s0, $0xA;
	s2 =	sadd.s32 s3, s2  }
0x8d: {  	s2 =	sadd.s32 s2, s17  }
0x8e: {  	[smem:$0x3FC0] =	sst s2  }
0x8f: {  	_ = 	snop  }
0x90: {  	s2 =	sld [smem:$0x3FC9];
	(tm) =	ssettm $0x1  }
0x91: {  	s18 =	sld [smem:$0x3FFB];
	_ =	sdelay $0x3  }
0x92: {  	_ =	strace s18  }
0x93: {  	s3 =	sld [smem:$0x3FFC];
	_ =	sdelay $0x3  }
0x94: {  	_ =	strace s3  }
0x95: {  	s3 =	sld [smem:$0x3FFD];
	_ =	sdelay $0x3  }
0x96: {  	_ =	strace s3  }
0x97: {  	_ =	strace $0x8FFFFFFF  }
0x98: {  	s19 =	sld [smem:$0x3FDB];
	_ =	sdelay $0x1  }
0x99: {  	s4 =	simm.s32 $_scs_section_size  }
0x9a: {  	s5 =	simm.s32 $_size__tile_overlayer_lowered;
	s6 =	simm.s32 $_tile_overlayer_lowered  }
0x9b: {  	s22 =	simm.s32 $0x1BFF;
	s21 =	sshll.u32 s6, $0x1;
	s3 =	sadd.s32 s4, s19  }
0x9c: {  	s7 =	simm.s32 $0x0;
	s20 =	sshll.u32 s5, $0x1;
	s5 =	sadd.s32 s21, s3  }
0x9d: {  	[timem:s7], [sflag:s22] =	dma.local [hbm:s5], s20  }
0x9e: {  	_ =	swait.ge [sflag:s22], s20  }
0x9f: {  	s4 =	ssub.s32 $0x0, s20;
	[sflag:s22] =	ssyncset.done $0x0  }
0xa0: {  	[sflag:s22] =	ssyncadd.s32 s4;
	_ =	sdelay $0x1  }
0xa1: {  	s23 =	simm.s32 $0x1B8B  }
0xa2: {  	_ =	swait.ge [sflag:s23], $0x1  }
0xa3: {  	[sflag:s23] =	ssyncset.done $0x0  }
0xa4: {  	s25 =	simm.s32 $0x1B8E;
	s24 =	sld [smem:$0x3FFE];
	[sflag:s23] =	ssyncadd.s32 $0xFFFFFFFF  }
0xa5: {  	s26 =	simm.s32 $execute0_lowered;
	[smem:$0x3FD2] =	sst s25  }
0xa6: {  	s5 =	sshll.u32 s26, $0x1;
	_ =	strace $0x80000046;
	[dreg:$0x1] =	wrdreg $0xFFFFFFFF  }
0xa7: {  	s28 =	simm.s32 $_size_execute0_lowered;
	s3 =	sadd.s32 s3, s5;
	[dreg:$0x0] =	wrdreg $0x0  }
0xa8: {  	s5 =	sshll.u32 s28, $0x1;
	[dreg:$0x2] =	wrdreg s3  }
0xa9: {  	[dreg:$0x3] =	wrdreg s5  }
0xaa: {  	[dreg:$0x4] =	wrdreg $0xC0  }
0xab: {  	_ =	task [dreg:s7], $0x5FFFF  }
0xac: {  	[dreg:$0x1] =	wrdreg $0xFFFFFFFF  }
0xad: {  	[dreg:$0x0] =	wrdreg $0x60  }
0xae: {  	[dreg:$0x2] =	wrdreg s2  }
0xaf: {  	[dreg:$0x3] =	wrdreg s24  }
0xb0: {  	[dreg:$0x4] =	wrdreg $0x9  }
0xb1: {  	_ =	task.clear_ibuf [dreg:s7], $0x5FFFF;
	_ =	strace $0x90000046  }
0xb2: {  	s29 =	simm.s32 $0x9;
	_ =	strace $0x80000048  }
0xb3: {  	_ =	swait.ge [sflag:s29], $0x1  }
0xb4: {  	[sflag:s29] =	ssyncadd.s32 $0xFFFFFFFF  }
0xb5: {  	_ =	strace $0x90000048  }
0xb6: {  	_ =	sfence  }
0xb7: {  	s30 =	sld [smem:$0x0];
	_ =	sdelay $0x2  }
0xb8: {  	s31 =	sshll.u32 s1, $0xD;
	s1 =	sshrl.u32 s1, $0x2  }
0xb9: {  	s3 =	sand.u32 $0x4000, s31;
	s1 =	sadd.s32 s1, s30  }
0xba: {  	s0 =	sor.u32 s3, s0;
	s1 =	sshll.u32 s1, $0x11  }
0xbb: {  	s0 =	sor.u32 s1, s0  }
0xbc: {  	s0 =	sadd.s32 $0x8F2B, s0  }
0xbd: {  	[sflag:s0] =	ssyncadd.remote.s32 $0x1  }
0xbe: {  	_ =	sfence.sel $0xFFFF  }
0xbf: {  	[dreg:$0x0] =	wrdreg $0xFFFFFFFF;
	(pc) =	sbr.abs _section_cstart, $3  }
0xc0: {  	[dreg:$0x1] =	wrdreg $0xFFFFFFFF  }
0xc1: {  	_ =	task.clear_ibuf [dreg:s7], $0x2FFFF;
	_ =	strace $0x9FFFFFFF  }
0xc2: {  	(tm) =	ssettm $0x7FFFFFFF  }
0xc3: {  	_ =	shalt  }
tec
execute0_lowered:
.L_overlay_start_1:
0x0: {  	(tag) =	ssettag $0x1  }
0x1: {  	s1 =	srdreg.scid  }
0x2: {  	s3 =	rddreg [dreg:$0x0];
	s0 =	stileid.u32  }
0x3: {  	s5 =	rddreg [dreg:$0x1];
	s2 =	simm.s32 $0x0;
	s8 =	simm.s32 $0x80  }
0x4: {  	s26 =	simm.s32 $0x880;
	s9 =	simm.s32 $0x1080;
	s10 =	simm.s32 $0x1880  }
0x5: {  	s11 =	simm.s32 $0x2080;
	s12 =	simm.s32 $0x2880;
	s13 =	simm.s32 $0x3080  }
0x6: {  	s14 =	simm.s32 $0x3880;
	s15 =	simm.s32 $0x4080;
	s16 =	simm.s32 $0x4880  }
0x7: {  	s17 =	simm.s32 $0x5080;
	s18 =	simm.s32 $0x5880;
	s19 =	simm.s32 $0x6080  }
0x8: {  	s20 =	simm.s32 $0x6880;
	s21 =	simm.s32 $0x7080;
	s22 =	simm.s32 $0x7880  }
0x9: {  	s23 =	simm.s32 $0x8080;
	s24 =	simm.s32 $0x8880;
	s25 =	simm.s32 $0x9080  }
0xa: {  	s28 =	simm.s32 $0xA080;
	s29 =	simm.s32 $0xA880;
	s30 =	simm.s32 $0xB080  }
0xb: {  	s31 =	simm.s32 $0xB880;
	s1 =	sand.u32 $0x1, s1;
	[smem:$0x7FF] =	sst s2  }
0xc: {  	s4 =	sshll.u32 s0, $0x4;
	s6 =	sshll.u32 s1, $0x3;
	_ =	strace $0x80000047  }
0xd: {  	s1 =	ssub.s32 $0x2, s1;
	[dreg:$0x5] =	wrdreg s26;
	s4 =	sor.u32 s6, s4  }
0xe: {  	s7 =	sshrl.u32 s1, $0x1;
	s6 =	sadd.s32 s4, s5;
	s4 =	smul.u32 $0x300, s4  }
0xf: {  	s26 =	simm.s32 $0x9880;
	s1 =	ssub.s32 s1, s7;
	s6 =	sadd.s32 $0x1600, s6  }
0x10: {  	v2 =	vlaneseq.u32;
	s7 =	simm.s32 $0x2;
	[dreg:$0x3] =	wrdreg s6;
	s4 =	sadd.s32 s3, s4  }
0x11: {  	vm0 =	vmmov $0xffff;
	v1 =	vshrl.u32 v2, $0x3;
	s3 =	sadd.s32 $0x1800, s5;
	s6 =	smax.u32 s1, $0x1;
	s1 =	simm.s32 $0x1  }
0x12: {  	v0 =	vand.u32 $0x7, v2;
	v2 =	vor.u32 $0x8, v2;
	v1 =	vmul.u32 $0x8, v1;
	[dreg:$0x4] =	wrdreg s4;
	s4 =	sadd.s32 $0x1900, s5;
	s5 =	sadd.s32 $0x1A00, s5  }
.LBB2_1:
0x13: {  	s0 =	rddreg [dreg:$0x3]  }
0x14: {  	[tilespmem:s2], [sflag:$0x2] =	stream.linear.gather [hbm4b:s0+s2], $0x40, $0x38;
	[tilespmem:$0xC080] =	vst v63  }
0x15: {  	_ =	swait.ge [sflag:s7], $0x40  }
0x16: {  	[sflag:s7] =	ssyncset.done $0x0  }
0x17: {  	s0 =	rddreg [dreg:$0x4];
	[sflag:s7] =	ssyncadd.s32 $0xFFFFFFC0  }
0x18: {  	[tilespmem:s8], [sflag:$0x2] =	stream.linear.gather [hbm4b:s0+s2], $0xC000, $0x38;
	[tilespmem:$0xC080] =	vst v63  }
0x19: {  	_ =	swait.ge [sflag:s7], $0xC000  }
0x1a: {  	[sflag:s7] =	ssyncset.done $0x0  }
0x1b: {  	[sflag:s7] =	ssyncadd.s32 $0xFFFF4000  }
0x1c: {  	v3 =	vld [tilespmem:$0x0];
	_ =	sdelay $0x4  }
0x1d: {  	v4 =	vshrl.u32 v3, $0x3  }
0x1e: {  	v4 =	vmul.u32 $0x30, v4  }
0x1f: {  	v3 =	vand.u32 $0x7, v3  }
0x20: {  	v3 =	vor.u32 v3, v4  }
0x21: {  	v4 =	vperm.xlane v3, v0;
	_ =	sdelay $0x1  }
0x22: {  	v4 =	vadd.s32 v1, v4;
	_ =	sdelay $0x3  }
0x23: {  	v3 =	vperm.xlane v3, v2  }
0x24: {  	[hbm4b:s3+s2] =	stream.indirect_vreg.scatter [tilespmem:s8], [sflag:$0x1], $0x80, v4, vm0, $0xb8;
	[tilespmem:$0xC080] =	vst v63  }
0x25: {  	s0 =	rddreg [dreg:$0x5];
	v3 =	vadd.s32 v1, v3  }
0x26: {  	[hbm4b:s4+s2] =	stream.indirect_vreg.scatter [tilespmem:s0], [sflag:$0x1], $0x80, v4, vm0, $0xb8;
	[tilespmem:$0xC080] =	vst v63  }
0x27: {  	_ = 	snop  }
0x28: {  	[hbm4b:s5+s2] =	stream.indirect_vreg.scatter [tilespmem:s9], [sflag:$0x1], $0x80, v4, vm0, $0xb8;
	[tilespmem:$0xC080] =	vst v63  }
0x29: {  	_ = 	snop  }
0x2a: {  	[hbm4b:s3+s2] =	stream.indirect_vreg.scatter [tilespmem:s10], [sflag:$0x1], $0x80, v3, vm0, $0xb8;
	[tilespmem:$0xC080] =	vst v63  }
0x2b: {  	_ = 	snop  }
0x2c: {  	[hbm4b:s4+s2] =	stream.indirect_vreg.scatter [tilespmem:s11], [sflag:$0x1], $0x80, v3, vm0, $0xb8;
	[tilespmem:$0xC080] =	vst v63  }
0x2d: {  	_ = 	snop  }
0x2e: {  	[hbm4b:s5+s2] =	stream.indirect_vreg.scatter [tilespmem:s12], [sflag:$0x1], $0x80, v3, vm0, $0xb8;
	[tilespmem:$0xC080] =	vst v63  }
0x2f: {  	v3 =	vld [tilespmem:$0x10];
	_ =	sdelay $0x4  }
0x30: {  	v61 =	vshrl.u32 v3, $0x3  }
0x31: {  	v4 =	vmul.u32 $0x30, v61  }
0x32: {  	v3 =	vand.u32 $0x7, v3  }
0x33: {  	v3 =	vor.u32 v3, v4  }
0x34: {  	v4 =	vperm.xlane v3, v0;
	_ =	sdelay $0x1  }
0x35: {  	v4 =	vadd.s32 v1, v4;
	_ =	sdelay $0x3  }
0x36: {  	v3 =	vperm.xlane v3, v2  }
0x37: {  	[hbm4b:s3+s2] =	stream.indirect_vreg.scatter [tilespmem:s13], [sflag:$0x1], $0x80, v4, vm0, $0xb8;
	[tilespmem:$0xC080] =	vst v63  }
0x38: {  	v3 =	vadd.s32 v1, v3  }
0x39: {  	[hbm4b:s4+s2] =	stream.indirect_vreg.scatter [tilespmem:s14], [sflag:$0x1], $0x80, v4, vm0, $0xb8;
	[tilespmem:$0xC080] =	vst v63  }
0x3a: {  	_ = 	snop  }
0x3b: {  	[hbm4b:s5+s2] =	stream.indirect_vreg.scatter [tilespmem:s15], [sflag:$0x1], $0x80, v4, vm0, $0xb8;
	[tilespmem:$0xC080] =	vst v63  }
0x3c: {  	_ = 	snop  }
0x3d: {  	[hbm4b:s3+s2] =	stream.indirect_vreg.scatter [tilespmem:s16], [sflag:$0x1], $0x80, v3, vm0, $0xb8;
	[tilespmem:$0xC080] =	vst v63  }
0x3e: {  	_ = 	snop  }
0x3f: {  	[hbm4b:s4+s2] =	stream.indirect_vreg.scatter [tilespmem:s17], [sflag:$0x1], $0x80, v3, vm0, $0xb8;
	[tilespmem:$0xC080] =	vst v63  }
0x40: {  	_ = 	snop  }
0x41: {  	[hbm4b:s5+s2] =	stream.indirect_vreg.scatter [tilespmem:s18], [sflag:$0x1], $0x80, v3, vm0, $0xb8;
	[tilespmem:$0xC080] =	vst v63  }
0x42: {  	v3 =	vld [tilespmem:$0x20];
	_ =	sdelay $0x4  }
0x43: {  	v62 =	vshrl.u32 v3, $0x3  }
0x44: {  	v4 =	vmul.u32 $0x30, v62  }
0x45: {  	v3 =	vand.u32 $0x7, v3  }
0x46: {  	v3 =	vor.u32 v3, v4  }
0x47: {  	v4 =	vperm.xlane v3, v0;
	_ =	sdelay $0x1  }
0x48: {  	v4 =	vadd.s32 v1, v4;
	_ =	sdelay $0x3  }
0x49: {  	v3 =	vperm.xlane v3, v2  }
0x4a: {  	[hbm4b:s3+s2] =	stream.indirect_vreg.scatter [tilespmem:s19], [sflag:$0x1], $0x80, v4, vm0, $0xb8;
	[tilespmem:$0xC080] =	vst v63  }
0x4b: {  	v3 =	vadd.s32 v1, v3  }
0x4c: {  	[hbm4b:s4+s2] =	stream.indirect_vreg.scatter [tilespmem:s20], [sflag:$0x1], $0x80, v4, vm0, $0xb8;
	[tilespmem:$0xC080] =	vst v63  }
0x4d: {  	_ = 	snop  }
0x4e: {  	[hbm4b:s5+s2] =	stream.indirect_vreg.scatter [tilespmem:s21], [sflag:$0x1], $0x80, v4, vm0, $0xb8;
	[tilespmem:$0xC080] =	vst v63  }
0x4f: {  	_ = 	snop  }
0x50: {  	[hbm4b:s3+s2] =	stream.indirect_vreg.scatter [tilespmem:s22], [sflag:$0x1], $0x80, v3, vm0, $0xb8;
	[tilespmem:$0xC080] =	vst v63  }
0x51: {  	_ = 	snop  }
0x52: {  	[hbm4b:s4+s2] =	stream.indirect_vreg.scatter [tilespmem:s23], [sflag:$0x1], $0x80, v3, vm0, $0xb8;
	[tilespmem:$0xC080] =	vst v63  }
0x53: {  	_ = 	snop  }
0x54: {  	[hbm4b:s5+s2] =	stream.indirect_vreg.scatter [tilespmem:s24], [sflag:$0x1], $0x80, v3, vm0, $0xb8;
	[tilespmem:$0xC080] =	vst v63  }
0x55: {  	v3 =	vld [tilespmem:$0x30];
	_ =	sdelay $0x4  }
0x56: {  	v63 =	vshrl.u32 v3, $0x3  }
0x57: {  	v4 =	vmul.u32 $0x30, v63  }
0x58: {  	v3 =	vand.u32 $0x7, v3  }
0x59: {  	v3 =	vor.u32 v3, v4  }
0x5a: {  	v4 =	vperm.xlane v3, v0;
	_ =	sdelay $0x1  }
0x5b: {  	v4 =	vadd.s32 v1, v4;
	_ =	sdelay $0x3  }
0x5c: {  	v3 =	vperm.xlane v3, v2  }
0x5d: {  	[hbm4b:s3+s2] =	stream.indirect_vreg.scatter [tilespmem:s25], [sflag:$0x1], $0x80, v4, vm0, $0xb8;
	[tilespmem:$0xC080] =	vst v63  }
0x5e: {  	v3 =	vadd.s32 v1, v3  }
0x5f: {  	[hbm4b:s4+s2] =	stream.indirect_vreg.scatter [tilespmem:s26], [sflag:$0x1], $0x80, v4, vm0, $0xb8;
	[tilespmem:$0xC080] =	vst v63  }
0x60: {  	_ = 	snop  }
0x61: {  	[hbm4b:s5+s2] =	stream.indirect_vreg.scatter [tilespmem:s28], [sflag:$0x1], $0x80, v4, vm0, $0xb8;
	[tilespmem:$0xC080] =	vst v63  }
0x62: {  	_ = 	snop  }
0x63: {  	[hbm4b:s3+s2] =	stream.indirect_vreg.scatter [tilespmem:s29], [sflag:$0x1], $0x80, v3, vm0, $0xb8;
	[tilespmem:$0xC080] =	vst v63  }
0x64: {  	p0 =	sne.s32 s6, $0x1  }
0x65: {  	[hbm4b:s4+s2] =	stream.indirect_vreg.scatter [tilespmem:s30], [sflag:$0x1], $0x80, v3, vm0, $0xb8;
	[tilespmem:$0xC080] =	vst v63  }
.Ltmp0:
0x66: {  	_ = 	snop;
	(pc) =	sbr.rel @p0 .LBB2_1-.Ltmp0, $4  }
0x67: {  	[hbm4b:s5+s2] =	stream.indirect_vreg.scatter [tilespmem:s31], [sflag:$0x1], $0x80, v3, vm0, $0xb8;
	[tilespmem:$0xC080] =	vst v63  }
0x68: {  	_ =	swait.ge [sflag:s1], $0xC000  }
0x69: {  	[sflag:s1] =	ssyncset.done $0x0  }
0x6a: {  	s6 =	sadd.s32 $0xFFFFFFFF, s6;
	[sflag:s1] =	ssyncadd.s32 $0xFFFF4000  }
0x6b: {  	_ =	sfence.sel $0x180000  }
0x6c: {  	[bflag:$0x0] =	sbarrier.arrive $0xFFFF  }
0x6d: {  	_ =	strace $0x90000047  }
0x6e: {  	s0 =	stileid.u32;
	[bflag:$0x2] =	sbarrier.arrive $0xFFFF  }
0x6f: {  	p0 =	sne.s32 s0, $0x0;
	s0 =	rddreg [dreg:$0x2]  }
0x70: {  	s0 =	sadd.s32 @!p0 $0x100000, s0  }
0x71: {  	[sflag:s0] =	ssyncadd.tile.s32 @!p0 $0x1;
	_ =	shalt  }
.Lfunc_end2:
_tile_overlayer_lowered:
.L_overlay_start_2:
0x72: {  	(tag) =	ssettag $0x2  }
0x73: {  	s0 =	rddreg [dreg:$0x0];
	s2 =	stileid.u32  }
0x74: {  	s1 =	rddreg [dreg:$0x1];
	p0 =	sne.s32 s2, $0x0  }
0x75: {  	s3 =	rddreg [dreg:$0x2];
	[bflag:$0x3] =	sbarrier.arrive $0xFFFF;
	s2 =	simm.s32 @!p0 $0x1C02  }
0x76: {  	[timem:s3], [sflag:s2] =	dma.local @!p0 [hbm:s0], s1  }
0x77: {  	s0 =	simm.s32 @!p0 $0x2  }
0x78: {  	_ =	swait.ge @!p0 [sflag:s0], s1  }
0x79: {  	s1 =	ssub.s32 @!p0 $0x0, s1;
	[sflag:s0] =	ssyncset.done @!p0 $0x0  }
0x7a: {  	[sflag:s0] =	ssyncadd.s32 @!p0 s1  }
0x7b: {  	[bflag:$0x3] =	sbarrier.arrive $0xFFFF  }
0x7c: {  	_ =	shalt  }

</sc_bundles>
